<compile_context>
chip_gen: v7x
topology: tpu7x:2x2x1
jax: 0.10.2.dev20260603
libtpu: 0.0.44.dev20260713+nightly
codegen_flags: <defaults>
</compile_context>

<pallas_src>
import functools

import jax
import jax.numpy as jnp
from jax.experimental import pallas as pl
from jax.experimental.pallas import tpu as pltpu


def _mbx_kernel(gt_ref, priors_ref, locp_ref, classp_ref, out_ref, *, P, G, C, R):
    f32 = jnp.float32
    i32 = jnp.int32
    row = jax.lax.broadcasted_iota(i32, (R, 128), 0)
    lane = jax.lax.broadcasted_iota(i32, (R, 128), 1)
    pidx = row * 128 + lane
    valid = pidx < P

    pcx = priors_ref[0]
    pcy = priors_ref[1]
    pw = priors_ref[2]
    ph = priors_ref[3]
    px1 = pcx - pw / 2
    py1 = pcy - ph / 2
    px2 = pcx + pw / 2
    py2 = pcy + ph / 2
    parea = (px2 - px1) * (py2 - py1)

    best_iou = jnp.full((R, 128), -jnp.inf, f32)
    best_g = jnp.zeros((R, 128), i32)
    forced = jnp.zeros((R, 128), jnp.bool_)
    mx1 = jnp.zeros((R, 128), f32)
    my1 = jnp.zeros((R, 128), f32)
    mx2 = jnp.zeros((R, 128), f32)
    my2 = jnp.zeros((R, 128), f32)
    mcls = jnp.zeros((R, 128), i32)

    for g in range(G):
        gx1 = gt_ref[0, 0, g]
        gy1 = gt_ref[0, 1, g]
        gx2 = gt_ref[0, 2, g]
        gy2 = gt_ref[0, 3, g]
        gcls = gt_ref[0, 4, g].astype(i32)
        garea = (gx2 - gx1) * (gy2 - gy1)
        ltx = jnp.maximum(gx1, px1)
        lty = jnp.maximum(gy1, py1)
        rbx = jnp.minimum(gx2, px2)
        rby = jnp.minimum(gy2, py2)
        wx = jnp.maximum(rbx - ltx, 0.0)
        wy = jnp.maximum(rby - lty, 0.0)
        inter = wx * wy
        iou = inter / (garea + parea - inter)
        better = iou > best_iou
        best_iou = jnp.where(better, iou, best_iou)
        best_g = jnp.where(better, g, best_g)
        mx1 = jnp.where(better, gx1, mx1)
        my1 = jnp.where(better, gy1, my1)
        mx2 = jnp.where(better, gx2, mx2)
        my2 = jnp.where(better, gy2, my2)
        mcls = jnp.where(better, gcls, mcls)
        mg = jnp.max(iou)
        amg = jnp.min(jnp.where(iou == mg, pidx, jnp.int32(2**30)))
        forced = forced | (pidx == amg)

    best_iou = jnp.where(forced, jnp.float32(2.0), best_iou)
    pos = jnp.logical_not(best_iou < 0.5)
    posv = pos & valid
    num_pos = jnp.sum(posv.astype(i32))

    l_cx = ((mx1 + mx2) / 2 - pcx) / (pw * 0.1)
    l_cy = ((my1 + my2) / 2 - pcy) / (ph * 0.1)
    l_w = jnp.log((mx2 - mx1) / pw) / 0.2
    l_h = jnp.log((my2 - my1) / ph) / 0.2

    def sl1(d):
        a = jnp.abs(d)
        return jnp.where(a < 1.0, 0.5 * d * d, a - 0.5)

    sl1sum = (sl1(locp_ref[0, 0] - l_cx) + sl1(locp_ref[0, 1] - l_cy)
              + sl1(locp_ref[0, 2] - l_w) + sl1(locp_ref[0, 3] - l_h))
    loss_l_b = jnp.sum(jnp.where(posv, sl1sum, 0.0))

    cls_t = jnp.where(posv, mcls + 1, 0)
    sumex = jnp.zeros((R, 128), f32)
    xsel = jnp.zeros((R, 128), f32)
    for c in range(C):
        xc = classp_ref[0, c]
        sumex = sumex + jnp.exp(xc)
        xsel = jnp.where(cls_t == c, xc, xsel)
    nll = jnp.log(sumex) - xsel

    loss_c_pos = jnp.sum(jnp.where(posv, nll, 0.0))

    loss_gt = jnp.where(posv | jnp.logical_not(valid), 0.0, nll)
    k = jnp.minimum(3 * num_pos, P - 1)
    bits = jax.lax.bitcast_convert_type(loss_gt, i32)
    maxbits = jnp.max(bits)

    def bisect(_, lohi):
        lo, hi = lohi
        mid = lo + ((hi - lo + 1) >> 1)
        cnt = jnp.sum((bits > mid).astype(i32))
        take = cnt >= k
        return (jnp.where(take, mid, lo), jnp.where(take, hi, mid - 1))

    lo, _ = jax.lax.fori_loop(0, 33, bisect, (jnp.int32(-1), maxbits))
    t = jax.lax.bitcast_convert_type(lo + 1, f32)
    gt_mask = loss_gt > t
    cnt_gt = jnp.sum(gt_mask.astype(i32))
    sum_gt = jnp.sum(jnp.where(gt_mask, loss_gt, 0.0))
    topk_sum = sum_gt + (k - cnt_gt).astype(f32) * t
    loss_c_b = loss_c_pos + jnp.where(k > 0, topk_sum, 0.0)

    lane0 = jax.lax.broadcasted_iota(i32, (1, 1, 128), 2)
    out_ref[...] = jnp.where(
        lane0 == 0, loss_l_b,
        jnp.where(lane0 == 1, loss_c_b,
                  jnp.where(lane0 == 2, num_pos.astype(f32), 0.0)))


def _run(loc_p, class_p, priors, gt, interpret=False):
    B, P, _ = loc_p.shape
    C = class_p.shape[-1]
    G = gt.shape[1]
    R = (P + 127) // 128
    PADP = R * 128
    locT = jnp.transpose(loc_p, (0, 2, 1))
    locT = jnp.pad(locT, ((0, 0), (0, 0), (0, PADP - P))).reshape(B, 4, R, 128)
    clsT = jnp.transpose(class_p, (0, 2, 1))
    clsT = jnp.pad(clsT, ((0, 0), (0, 0), (0, PADP - P))).reshape(B, C, R, 128)
    priT = jnp.transpose(priors, (1, 0))
    priT = jnp.pad(priT, ((0, 0), (0, PADP - P))).reshape(4, R, 128)
    gtT = jnp.transpose(gt, (0, 2, 1))
    out = pl.pallas_call(
        functools.partial(_mbx_kernel, P=P, G=G, C=C, R=R),
        grid=(B,),
        in_specs=[
            pl.BlockSpec((1, 5, G), lambda b: (b, 0, 0), memory_space=pltpu.SMEM),
            pl.BlockSpec((4, R, 128), lambda b: (0, 0, 0)),
            pl.BlockSpec((1, 4, R, 128), lambda b: (b, 0, 0, 0)),
            pl.BlockSpec((1, C, R, 128), lambda b: (b, 0, 0, 0)),
        ],
        out_specs=pl.BlockSpec((1, 1, 128), lambda b: (b, 0, 0)),
        out_shape=jax.ShapeDtypeStruct((B, 1, 128), jnp.float32),
        interpret=interpret,
    )(gtT, priT, locT, clsT)
    N = jnp.sum(out[:, 0, 2])
    return jnp.sum(out[:, 0, 0]) / N, jnp.sum(out[:, 0, 1]) / N


def kernel(loc_p, class_p, priors, gt):
    return _run(loc_p, class_p, priors, gt)

# --- scband reference (transcript-rebuilt; emitter-appended) ---
"""Pipeline reference for scband-multi-box-loss-43198781063465 (READ-ONLY COPY).

The authoritative reference and input builder live on the scoring server;
editing this copy changes nothing except your own understanding.
"""

import jax, jax.numpy as jnp
import numpy as np

THRESHOLD = 0.5
VAR0, VAR1 = 0.1, 0.2
NEGPOS_RATIO = 3


def point_form(box):
    return jnp.concatenate([box[:, :2] - box[:, 2:] / 2, box[:, :2] + box[:, 2:] / 2], axis=1)


def iou_jaccard(box1, box2):
    lt = jnp.maximum(box1[:, None, :2], box2[None, :, :2])
    rb = jnp.minimum(box1[:, None, 2:], box2[None, :, 2:])
    wh = jnp.clip(rb - lt, 0.0, None)
    intersect = wh[..., 0] * wh[..., 1]
    area1 = ((box1[:, 2] - box1[:, 0]) * (box1[:, 3] - box1[:, 1]))[:, None]
    area2 = ((box2[:, 2] - box2[:, 0]) * (box2[:, 3] - box2[:, 1]))[None, :]
    union = area1 + area2 - intersect
    return intersect / union


def encode(matched, priors):
    gt_cxcy = (matched[:, :2] + matched[:, 2:]) / 2 - priors[:, :2]
    gt_cxcy = gt_cxcy / (priors[:, 2:] * VAR0)
    gt_wh = (matched[:, 2:] - matched[:, :2]) / priors[:, 2:]
    gt_wh = jnp.log(gt_wh) / VAR1
    return jnp.concatenate([gt_cxcy, gt_wh], axis=1)


def assign_one(gt_box, gt_class, priors):
    iou = iou_jaccard(gt_box, point_form(priors))  # [G, P]
    best_iou = iou.max(axis=0)
    best_gt_idx = jnp.argmax(iou, axis=0)
    best_prior_idx = jnp.argmax(iou, axis=1)
    best_iou = best_iou.at[best_prior_idx].set(2.0)
    loc_t = encode(gt_box[best_gt_idx], priors)
    cls_t = gt_class[best_gt_idx].astype(jnp.int32) + 1
    cls_t = jnp.where(best_iou < THRESHOLD, 0, cls_t)
    return loc_t, cls_t


def setup_inputs(seed: int = 0) -> dict:
    key = jax.random.key(seed)
    ks = jax.random.split(key, 8)
    B, P, G, C = 32, 24564, 24, 21
    loc_p = jax.random.normal(ks[0], (B, P, 4), dtype=jnp.float32)
    class_p = jax.random.normal(ks[1], (B, P, C), dtype=jnp.float32)
    p_cxcy = jax.random.uniform(ks[2], (P, 2), minval=0.0, maxval=1.0)
    p_wh = jax.random.uniform(ks[3], (P, 2), minval=0.02, maxval=0.3)
    priors = jnp.concatenate([p_cxcy, p_wh], axis=1).astype(jnp.float32)
    g_c = jax.random.uniform(ks[4], (B, G, 2), minval=0.2, maxval=0.8)
    g_wh = jax.random.uniform(ks[5], (B, G, 2), minval=0.05, maxval=0.3)
    g_box = jnp.concatenate([g_c - g_wh / 2, g_c + g_wh / 2], axis=2)
    g_cls = jax.random.randint(ks[6], (B, G, 1), 0, C - 1).astype(jnp.float32)
    gt = jnp.concatenate([g_box, g_cls], axis=2).astype(jnp.float32)
    return {"loc_p": loc_p, "class_p": class_p, "priors": priors, "gt": gt}


def reference(loc_p, class_p, priors, gt):
    B, P, _ = loc_p.shape
    gt_box = gt[:, :, :4]
    gt_class = gt[:, :, 4]
    loc_t, class_t = jax.vmap(assign_one, in_axes=(0, 0, None))(gt_box, gt_class, priors)
    pos = class_t > 0  # [B, P]
    num_pos = pos.sum(axis=1, keepdims=True)
    # localization loss (smooth L1, sum over positives)
    d = loc_p - loc_t
    sl1 = jnp.where(jnp.abs(d) < 1.0, 0.5 * d * d, jnp.abs(d) - 0.5)
    loss_l = jnp.sum(sl1 * pos[..., None].astype(loc_p.dtype))
    # hard negative mining
    logp = jax.nn.log_softmax(class_p, axis=-1)
    nll = -jnp.take_along_axis(logp, class_t[..., None], axis=-1)[..., 0]  # [B, P]
    loss_gt = jnp.where(pos, 0.0, nll)
    loss_sort_idx = jnp.argsort(-loss_gt, axis=1)
    idx_rank = jnp.argsort(loss_sort_idx, axis=1)
    num_neg = jnp.minimum(NEGPOS_RATIO * num_pos, P - 1)
    neg = idx_rank < num_neg
    sel = pos | neg
    loss_c = jnp.sum(nll * sel.astype(nll.dtype))
    N = num_pos.sum().astype(jnp.float32)
    return loss_l / N, loss_c / N

if __name__ == "__main__":
    import jax
    _d = setup_inputs()
    print(jax.jit(kernel)(*tuple(_d.values())))

</pallas_src>

<mosaic_0001>
module attributes {stable_mosaic.version = 14 : i64} {
  func.func @_mbx_kernel(%arg0: i32, %arg1: memref<1x5x24xf32, #tpu.memory_space<smem>>, %arg2: memref<4x192x128xf32, #tpu.memory_space<vmem>>, %arg3: memref<1x4x192x128xf32, #tpu.memory_space<vmem>>, %arg4: memref<1x21x192x128xf32, #tpu.memory_space<vmem>>, %arg5: memref<1x1x128xf32, #tpu.memory_space<vmem>>) attributes {dimension_semantics = [#tpu.dimension_semantics<arbitrary>], iteration_bounds = array<i64: 32>, scalar_prefetch = 0 : i64, scratch_operands = 0 : i64, tpu.core_type = #tpu.core_type<tc>, window_params = [{transform_indices = @transform_0, window_bounds = array<i64: 1, 5, 24>}, {pipeline_mode = #tpu.pipeline_mode<synchronous>, transform_indices = @transform_1, window_bounds = array<i64: 4, 192, 128>}, {transform_indices = @transform_2, window_bounds = array<i64: 1, 4, 192, 128>}, {transform_indices = @transform_3, window_bounds = array<i64: 1, 21, 192, 128>}, {transform_indices = @transform_4, window_bounds = array<i64: 1, 1, 128>}]} {
    %iota3A = tpu.iota {dimensions = array<i32: 0>} : vector<192x128xi32>
    %iota3A_0 = tpu.iota {dimensions = array<i32: 1>} : vector<192x128xi32>
    %mul3A = arith.constant 128 : i32
    %mul3A_1 = vector.broadcast %mul3A : i32 to vector<192x128xi32>
    %mul3A_2 = arith.muli %iota3A, %mul3A_1 : vector<192x128xi32>
    %add3A = arith.addi %mul3A_2, %iota3A_0 : vector<192x128xi32>
    %lt3A = arith.constant 24564 : i32
    %lt3A_3 = vector.broadcast %lt3A : i32 to vector<192x128xi32>
    %lt3A_4 = arith.cmpi slt, %add3A, %lt3A_3 : vector<192x128xi32>
    %get3A = arith.constant 0 : index
    %get3A_5 = arith.constant 0 : index
    %get3A_6 = arith.constant 0 : index
    %get3A_7 = vector.load %arg2[%get3A, %get3A_5, %get3A_6] : memref<4x192x128xf32, #tpu.memory_space<vmem>>, vector<1x192x128xf32>
    %get3A_8 = vector.shape_cast %get3A_7 : vector<1x192x128xf32> to vector<192x128xf32>
    %get3A_9 = arith.constant 1 : index
    %get3A_10 = arith.constant 0 : index
    %get3A_11 = arith.constant 0 : index
    %get3A_12 = vector.load %arg2[%get3A_9, %get3A_10, %get3A_11] : memref<4x192x128xf32, #tpu.memory_space<vmem>>, vector<1x192x128xf32>
    %get3A_13 = vector.shape_cast %get3A_12 : vector<1x192x128xf32> to vector<192x128xf32>
    %get3A_14 = arith.constant 2 : index
    %get3A_15 = arith.constant 0 : index
    %get3A_16 = arith.constant 0 : index
    %get3A_17 = vector.load %arg2[%get3A_14, %get3A_15, %get3A_16] : memref<4x192x128xf32, #tpu.memory_space<vmem>>, vector<1x192x128xf32>
    %get3A_18 = vector.shape_cast %get3A_17 : vector<1x192x128xf32> to vector<192x128xf32>
    %get3A_19 = arith.constant 3 : index
    %get3A_20 = arith.constant 0 : index
    %get3A_21 = arith.constant 0 : index
    %get3A_22 = vector.load %arg2[%get3A_19, %get3A_20, %get3A_21] : memref<4x192x128xf32, #tpu.memory_space<vmem>>, vector<1x192x128xf32>
    %get3A_23 = vector.shape_cast %get3A_22 : vector<1x192x128xf32> to vector<192x128xf32>
    %div3A = arith.constant 2.000000e+00 : f32
    %div3A_24 = vector.broadcast %div3A : f32 to vector<192x128xf32>
    %div3A_25 = arith.divf %get3A_18, %div3A_24 : vector<192x128xf32>
    %sub3A = arith.subf %get3A_8, %div3A_25 : vector<192x128xf32>
    %div3A_26 = arith.constant 2.000000e+00 : f32
    %div3A_27 = vector.broadcast %div3A_26 : f32 to vector<192x128xf32>
    %div3A_28 = arith.divf %get3A_23, %div3A_27 : vector<192x128xf32>
    %sub3A_29 = arith.subf %get3A_13, %div3A_28 : vector<192x128xf32>
    %div3A_30 = arith.constant 2.000000e+00 : f32
    %div3A_31 = vector.broadcast %div3A_30 : f32 to vector<192x128xf32>
    %div3A_32 = arith.divf %get3A_18, %div3A_31 : vector<192x128xf32>
    %add3A_33 = arith.addf %get3A_8, %div3A_32 : vector<192x128xf32>
    %div3A_34 = arith.constant 2.000000e+00 : f32
    %div3A_35 = vector.broadcast %div3A_34 : f32 to vector<192x128xf32>
    %div3A_36 = arith.divf %get3A_23, %div3A_35 : vector<192x128xf32>
    %add3A_37 = arith.addf %get3A_13, %div3A_36 : vector<192x128xf32>
    %sub3A_38 = arith.subf %add3A_33, %sub3A : vector<192x128xf32>
    %sub3A_39 = arith.subf %add3A_37, %sub3A_29 : vector<192x128xf32>
    %mul3A_40 = arith.mulf %sub3A_38, %sub3A_39 : vector<192x128xf32>
    %broadcast_in_dim3A = arith.constant 0xFF800000 : f32
    %broadcast_in_dim3A_41 = vector.broadcast %broadcast_in_dim3A : f32 to vector<192x128xf32>
    %broadcast_in_dim3A_42 = arith.constant false
    %broadcast_in_dim3A_43 = vector.broadcast %broadcast_in_dim3A_42 : i1 to vector<192x128xi1>
    %broadcast_in_dim3A_44 = arith.constant 0.000000e+00 : f32
    %broadcast_in_dim3A_45 = vector.broadcast %broadcast_in_dim3A_44 : f32 to vector<192x128xf32>
    %broadcast_in_dim3A_46 = arith.constant 0.000000e+00 : f32
    %broadcast_in_dim3A_47 = vector.broadcast %broadcast_in_dim3A_46 : f32 to vector<192x128xf32>
    %broadcast_in_dim3A_48 = arith.constant 0.000000e+00 : f32
    %broadcast_in_dim3A_49 = vector.broadcast %broadcast_in_dim3A_48 : f32 to vector<192x128xf32>
    %broadcast_in_dim3A_50 = arith.constant 0.000000e+00 : f32
    %broadcast_in_dim3A_51 = vector.broadcast %broadcast_in_dim3A_50 : f32 to vector<192x128xf32>
    %broadcast_in_dim3A_52 = arith.constant 0 : i32
    %broadcast_in_dim3A_53 = vector.broadcast %broadcast_in_dim3A_52 : i32 to vector<192x128xi32>
    %get3A_54 = arith.constant 0 : index
    %get3A_55 = arith.constant 0 : index
    %get3A_56 = arith.constant 0 : index
    %get3A_57 = memref.load %arg1[%get3A_54, %get3A_55, %get3A_56] : memref<1x5x24xf32, #tpu.memory_space<smem>>
    %get3A_58 = arith.constant 0 : index
    %get3A_59 = arith.constant 1 : index
    %get3A_60 = arith.constant 0 : index
    %get3A_61 = memref.load %arg1[%get3A_58, %get3A_59, %get3A_60] : memref<1x5x24xf32, #tpu.memory_space<smem>>
    %get3A_62 = arith.constant 0 : index
    %get3A_63 = arith.constant 2 : index
    %get3A_64 = arith.constant 0 : index
    %get3A_65 = memref.load %arg1[%get3A_62, %get3A_63, %get3A_64] : memref<1x5x24xf32, #tpu.memory_space<smem>>
    %get3A_66 = arith.constant 0 : index
    %get3A_67 = arith.constant 3 : index
    %get3A_68 = arith.constant 0 : index
    %get3A_69 = memref.load %arg1[%get3A_66, %get3A_67, %get3A_68] : memref<1x5x24xf32, #tpu.memory_space<smem>>
    %get3A_70 = arith.constant 0 : index
    %get3A_71 = arith.constant 4 : index
    %get3A_72 = arith.constant 0 : index
    %get3A_73 = memref.load %arg1[%get3A_70, %get3A_71, %get3A_72] : memref<1x5x24xf32, #tpu.memory_space<smem>>
    %convert_element_type3A = arith.fptosi %get3A_73 : f32 to i32
    %sub3A_74 = arith.subf %get3A_65, %get3A_57 : f32
    %sub3A_75 = arith.subf %get3A_69, %get3A_61 : f32
    %mul3A_76 = arith.mulf %sub3A_74, %sub3A_75 : f32
    %max3A = vector.broadcast %get3A_57 : f32 to vector<192x128xf32>
    %max3A_77 = arith.maximumf %max3A, %sub3A : vector<192x128xf32>
    %max3A_78 = vector.broadcast %get3A_61 : f32 to vector<192x128xf32>
    %max3A_79 = arith.maximumf %max3A_78, %sub3A_29 : vector<192x128xf32>
    %min3A = vector.broadcast %get3A_65 : f32 to vector<192x128xf32>
    %min3A_80 = arith.minimumf %min3A, %add3A_33 : vector<192x128xf32>
    %min3A_81 = vector.broadcast %get3A_69 : f32 to vector<192x128xf32>
    %min3A_82 = arith.minimumf %min3A_81, %add3A_37 : vector<192x128xf32>
    %sub3A_83 = arith.subf %min3A_80, %max3A_77 : vector<192x128xf32>
    %max3A_84 = arith.constant 0.000000e+00 : f32
    %max3A_85 = vector.broadcast %max3A_84 : f32 to vector<192x128xf32>
    %max3A_86 = arith.maximumf %sub3A_83, %max3A_85 : vector<192x128xf32>
    %sub3A_87 = arith.subf %min3A_82, %max3A_79 : vector<192x128xf32>
    %max3A_88 = arith.constant 0.000000e+00 : f32
    %max3A_89 = vector.broadcast %max3A_88 : f32 to vector<192x128xf32>
    %max3A_90 = arith.maximumf %sub3A_87, %max3A_89 : vector<192x128xf32>
    %mul3A_91 = arith.mulf %max3A_86, %max3A_90 : vector<192x128xf32>
    %add3A_92 = vector.broadcast %mul3A_76 : f32 to vector<192x128xf32>
    %add3A_93 = arith.addf %add3A_92, %mul3A_40 : vector<192x128xf32>
    %sub3A_94 = arith.subf %add3A_93, %mul3A_91 : vector<192x128xf32>
    %div3A_95 = arith.divf %mul3A_91, %sub3A_94 : vector<192x128xf32>
    %gt3A = arith.cmpf ogt, %div3A_95, %broadcast_in_dim3A_41 : vector<192x128xf32>
    %select_n3A = arith.select %gt3A, %div3A_95, %broadcast_in_dim3A_41 : vector<192x128xi1>, vector<192x128xf32>
    %broadcast_in_dim3A_96 = vector.broadcast %get3A_57 : f32 to vector<192x128xf32>
    %select_n3A_97 = arith.select %gt3A, %broadcast_in_dim3A_96, %broadcast_in_dim3A_45 : vector<192x128xi1>, vector<192x128xf32>
    %broadcast_in_dim3A_98 = vector.broadcast %get3A_61 : f32 to vector<192x128xf32>
    %select_n3A_99 = arith.select %gt3A, %broadcast_in_dim3A_98, %broadcast_in_dim3A_47 : vector<192x128xi1>, vector<192x128xf32>
    %broadcast_in_dim3A_100 = vector.broadcast %get3A_65 : f32 to vector<192x128xf32>
    %select_n3A_101 = arith.select %gt3A, %broadcast_in_dim3A_100, %broadcast_in_dim3A_49 : vector<192x128xi1>, vector<192x128xf32>
    %broadcast_in_dim3A_102 = vector.broadcast %get3A_69 : f32 to vector<192x128xf32>
    %select_n3A_103 = arith.select %gt3A, %broadcast_in_dim3A_102, %broadcast_in_dim3A_51 : vector<192x128xi1>, vector<192x128xf32>
    %broadcast_in_dim3A_104 = vector.broadcast %convert_element_type3A : i32 to vector<192x128xi32>
    %select_n3A_105 = arith.select %gt3A, %broadcast_in_dim3A_104, %broadcast_in_dim3A_53 : vector<192x128xi1>, vector<192x128xi32>
    %reduce_max3A = vector.shape_cast %div3A_95 : vector<192x128xf32> to vector<1x192x128xf32>
    %reduce_max3A_106 = arith.constant dense<0xFF800000> : vector<1xf32>
    %reduce_max3A_107 = vector.multi_reduction <maximumf>, %reduce_max3A, %reduce_max3A_106 [1, 2] : vector<1x192x128xf32> to vector<1xf32>
    %reduce_max3A_108 = vector.shape_cast %reduce_max3A_107 : vector<1xf32> to vector<1x1x1xf32>
    %reduce_max3A_109 = vector.extract %reduce_max3A_108[0, 0, 0] : f32 from vector<1x1x1xf32>
    %eq3A = vector.broadcast %reduce_max3A_109 : f32 to vector<192x128xf32>
    %eq3A_110 = arith.cmpf oeq, %div3A_95, %eq3A : vector<192x128xf32>
    %jit3A = arith.constant 1073741824 : i32
    %broadcast_in_dim3A_111 = vector.broadcast %jit3A : i32 to vector<192x128xi32>
    %select_n3A_112 = arith.select %eq3A_110, %add3A, %broadcast_in_dim3A_111 : vector<192x128xi1>, vector<192x128xi32>
    %reduce_min3A = vector.shape_cast %select_n3A_112 : vector<192x128xi32> to vector<1x192x128xi32>
    %reduce_min3A_113 = arith.constant dense<2147483647> : vector<1xi32>
    %reduce_min3A_114 = vector.multi_reduction <minsi>, %reduce_min3A, %reduce_min3A_113 [1, 2] : vector<1x192x128xi32> to vector<1xi32>
    %reduce_min3A_115 = vector.shape_cast %reduce_min3A_114 : vector<1xi32> to vector<1x1x1xi32>
    %reduce_min3A_116 = vector.extract %reduce_min3A_115[0, 0, 0] : i32 from vector<1x1x1xi32>
    %eq3A_117 = vector.broadcast %reduce_min3A_116 : i32 to vector<192x128xi32>
    %eq3A_118 = arith.cmpi eq, %add3A, %eq3A_117 : vector<192x128xi32>
    %or3A = arith.ori %broadcast_in_dim3A_43, %eq3A_118 : vector<192x128xi1>
    %get3A_119 = arith.constant 0 : index
    %get3A_120 = arith.constant 0 : index
    %get3A_121 = arith.constant 1 : index
    %get3A_122 = memref.load %arg1[%get3A_119, %get3A_120, %get3A_121] : memref<1x5x24xf32, #tpu.memory_space<smem>>
    %get3A_123 = arith.constant 0 : index
    %get3A_124 = arith.constant 1 : index
    %get3A_125 = arith.constant 1 : index
    %get3A_126 = memref.load %arg1[%get3A_123, %get3A_124, %get3A_125] : memref<1x5x24xf32, #tpu.memory_space<smem>>
    %get3A_127 = arith.constant 0 : index
    %get3A_128 = arith.constant 2 : index
    %get3A_129 = arith.constant 1 : index
    %get3A_130 = memref.load %arg1[%get3A_127, %get3A_128, %get3A_129] : memref<1x5x24xf32, #tpu.memory_space<smem>>
    %get3A_131 = arith.constant 0 : index
    %get3A_132 = arith.constant 3 : index
    %get3A_133 = arith.constant 1 : index
    %get3A_134 = memref.load %arg1[%get3A_131, %get3A_132, %get3A_133] : memref<1x5x24xf32, #tpu.memory_space<smem>>
    %get3A_135 = arith.constant 0 : index
    %get3A_136 = arith.constant 4 : index
    %get3A_137 = arith.constant 1 : index
    %get3A_138 = memref.load %arg1[%get3A_135, %get3A_136, %get3A_137] : memref<1x5x24xf32, #tpu.memory_space<smem>>
    %convert_element_type3A_139 = arith.fptosi %get3A_138 : f32 to i32
    %sub3A_140 = arith.subf %get3A_130, %get3A_122 : f32
    %sub3A_141 = arith.subf %get3A_134, %get3A_126 : f32
    %mul3A_142 = arith.mulf %sub3A_140, %sub3A_141 : f32
    %max3A_143 = vector.broadcast %get3A_122 : f32 to vector<192x128xf32>
    %max3A_144 = arith.maximumf %max3A_143, %sub3A : vector<192x128xf32>
    %max3A_145 = vector.broadcast %get3A_126 : f32 to vector<192x128xf32>
    %max3A_146 = arith.maximumf %max3A_145, %sub3A_29 : vector<192x128xf32>
    %min3A_147 = vector.broadcast %get3A_130 : f32 to vector<192x128xf32>
    %min3A_148 = arith.minimumf %min3A_147, %add3A_33 : vector<192x128xf32>
    %min3A_149 = vector.broadcast %get3A_134 : f32 to vector<192x128xf32>
    %min3A_150 = arith.minimumf %min3A_149, %add3A_37 : vector<192x128xf32>
    %sub3A_151 = arith.subf %min3A_148, %max3A_144 : vector<192x128xf32>
    %max3A_152 = arith.constant 0.000000e+00 : f32
    %max3A_153 = vector.broadcast %max3A_152 : f32 to vector<192x128xf32>
    %max3A_154 = arith.maximumf %sub3A_151, %max3A_153 : vector<192x128xf32>
    %sub3A_155 = arith.subf %min3A_150, %max3A_146 : vector<192x128xf32>
    %max3A_156 = arith.constant 0.000000e+00 : f32
    %max3A_157 = vector.broadcast %max3A_156 : f32 to vector<192x128xf32>
    %max3A_158 = arith.maximumf %sub3A_155, %max3A_157 : vector<192x128xf32>
    %mul3A_159 = arith.mulf %max3A_154, %max3A_158 : vector<192x128xf32>
    %add3A_160 = vector.broadcast %mul3A_142 : f32 to vector<192x128xf32>
    %add3A_161 = arith.addf %add3A_160, %mul3A_40 : vector<192x128xf32>
    %sub3A_162 = arith.subf %add3A_161, %mul3A_159 : vector<192x128xf32>
    %div3A_163 = arith.divf %mul3A_159, %sub3A_162 : vector<192x128xf32>
    %gt3A_164 = arith.cmpf ogt, %div3A_163, %select_n3A : vector<192x128xf32>
    %select_n3A_165 = arith.select %gt3A_164, %div3A_163, %select_n3A : vector<192x128xi1>, vector<192x128xf32>
    %broadcast_in_dim3A_166 = vector.broadcast %get3A_122 : f32 to vector<192x128xf32>
    %select_n3A_167 = arith.select %gt3A_164, %broadcast_in_dim3A_166, %select_n3A_97 : vector<192x128xi1>, vector<192x128xf32>
    %broadcast_in_dim3A_168 = vector.broadcast %get3A_126 : f32 to vector<192x128xf32>
    %select_n3A_169 = arith.select %gt3A_164, %broadcast_in_dim3A_168, %select_n3A_99 : vector<192x128xi1>, vector<192x128xf32>
    %broadcast_in_dim3A_170 = vector.broadcast %get3A_130 : f32 to vector<192x128xf32>
    %select_n3A_171 = arith.select %gt3A_164, %broadcast_in_dim3A_170, %select_n3A_101 : vector<192x128xi1>, vector<192x128xf32>
    %broadcast_in_dim3A_172 = vector.broadcast %get3A_134 : f32 to vector<192x128xf32>
    %select_n3A_173 = arith.select %gt3A_164, %broadcast_in_dim3A_172, %select_n3A_103 : vector<192x128xi1>, vector<192x128xf32>
    %broadcast_in_dim3A_174 = vector.broadcast %convert_element_type3A_139 : i32 to vector<192x128xi32>
    %select_n3A_175 = arith.select %gt3A_164, %broadcast_in_dim3A_174, %select_n3A_105 : vector<192x128xi1>, vector<192x128xi32>
    %reduce_max3A_176 = vector.shape_cast %div3A_163 : vector<192x128xf32> to vector<1x192x128xf32>
    %reduce_max3A_177 = arith.constant dense<0xFF800000> : vector<1xf32>
    %reduce_max3A_178 = vector.multi_reduction <maximumf>, %reduce_max3A_176, %reduce_max3A_177 [1, 2] : vector<1x192x128xf32> to vector<1xf32>
    %reduce_max3A_179 = vector.shape_cast %reduce_max3A_178 : vector<1xf32> to vector<1x1x1xf32>
    %reduce_max3A_180 = vector.extract %reduce_max3A_179[0, 0, 0] : f32 from vector<1x1x1xf32>
    %eq3A_181 = vector.broadcast %reduce_max3A_180 : f32 to vector<192x128xf32>
    %eq3A_182 = arith.cmpf oeq, %div3A_163, %eq3A_181 : vector<192x128xf32>
    %jit3A_183 = arith.constant 1073741824 : i32
    %broadcast_in_dim3A_184 = vector.broadcast %jit3A_183 : i32 to vector<192x128xi32>
    %select_n3A_185 = arith.select %eq3A_182, %add3A, %broadcast_in_dim3A_184 : vector<192x128xi1>, vector<192x128xi32>
    %reduce_min3A_186 = vector.shape_cast %select_n3A_185 : vector<192x128xi32> to vector<1x192x128xi32>
    %reduce_min3A_187 = arith.constant dense<2147483647> : vector<1xi32>
    %reduce_min3A_188 = vector.multi_reduction <minsi>, %reduce_min3A_186, %reduce_min3A_187 [1, 2] : vector<1x192x128xi32> to vector<1xi32>
    %reduce_min3A_189 = vector.shape_cast %reduce_min3A_188 : vector<1xi32> to vector<1x1x1xi32>
    %reduce_min3A_190 = vector.extract %reduce_min3A_189[0, 0, 0] : i32 from vector<1x1x1xi32>
    %eq3A_191 = vector.broadcast %reduce_min3A_190 : i32 to vector<192x128xi32>
    %eq3A_192 = arith.cmpi eq, %add3A, %eq3A_191 : vector<192x128xi32>
    %or3A_193 = arith.ori %or3A, %eq3A_192 : vector<192x128xi1>
    %get3A_194 = arith.constant 0 : index
    %get3A_195 = arith.constant 0 : index
    %get3A_196 = arith.constant 2 : index
    %get3A_197 = memref.load %arg1[%get3A_194, %get3A_195, %get3A_196] : memref<1x5x24xf32, #tpu.memory_space<smem>>
    %get3A_198 = arith.constant 0 : index
    %get3A_199 = arith.constant 1 : index
    %get3A_200 = arith.constant 2 : index
    %get3A_201 = memref.load %arg1[%get3A_198, %get3A_199, %get3A_200] : memref<1x5x24xf32, #tpu.memory_space<smem>>
    %get3A_202 = arith.constant 0 : index
    %get3A_203 = arith.constant 2 : index
    %get3A_204 = arith.constant 2 : index
    %get3A_205 = memref.load %arg1[%get3A_202, %get3A_203, %get3A_204] : memref<1x5x24xf32, #tpu.memory_space<smem>>
    %get3A_206 = arith.constant 0 : index
    %get3A_207 = arith.constant 3 : index
    %get3A_208 = arith.constant 2 : index
    %get3A_209 = memref.load %arg1[%get3A_206, %get3A_207, %get3A_208] : memref<1x5x24xf32, #tpu.memory_space<smem>>
    %get3A_210 = arith.constant 0 : index
    %get3A_211 = arith.constant 4 : index
    %get3A_212 = arith.constant 2 : index
    %get3A_213 = memref.load %arg1[%get3A_210, %get3A_211, %get3A_212] : memref<1x5x24xf32, #tpu.memory_space<smem>>
    %convert_element_type3A_214 = arith.fptosi %get3A_213 : f32 to i32
    %sub3A_215 = arith.subf %get3A_205, %get3A_197 : f32
    %sub3A_216 = arith.subf %get3A_209, %get3A_201 : f32
    %mul3A_217 = arith.mulf %sub3A_215, %sub3A_216 : f32
    %max3A_218 = vector.broadcast %get3A_197 : f32 to vector<192x128xf32>
    %max3A_219 = arith.maximumf %max3A_218, %sub3A : vector<192x128xf32>
    %max3A_220 = vector.broadcast %get3A_201 : f32 to vector<192x128xf32>
    %max3A_221 = arith.maximumf %max3A_220, %sub3A_29 : vector<192x128xf32>
    %min3A_222 = vector.broadcast %get3A_205 : f32 to vector<192x128xf32>
    %min3A_223 = arith.minimumf %min3A_222, %add3A_33 : vector<192x128xf32>
    %min3A_224 = vector.broadcast %get3A_209 : f32 to vector<192x128xf32>
    %min3A_225 = arith.minimumf %min3A_224, %add3A_37 : vector<192x128xf32>
    %sub3A_226 = arith.subf %min3A_223, %max3A_219 : vector<192x128xf32>
    %max3A_227 = arith.constant 0.000000e+00 : f32
    %max3A_228 = vector.broadcast %max3A_227 : f32 to vector<192x128xf32>
    %max3A_229 = arith.maximumf %sub3A_226, %max3A_228 : vector<192x128xf32>
    %sub3A_230 = arith.subf %min3A_225, %max3A_221 : vector<192x128xf32>
    %max3A_231 = arith.constant 0.000000e+00 : f32
    %max3A_232 = vector.broadcast %max3A_231 : f32 to vector<192x128xf32>
    %max3A_233 = arith.maximumf %sub3A_230, %max3A_232 : vector<192x128xf32>
    %mul3A_234 = arith.mulf %max3A_229, %max3A_233 : vector<192x128xf32>
    %add3A_235 = vector.broadcast %mul3A_217 : f32 to vector<192x128xf32>
    %add3A_236 = arith.addf %add3A_235, %mul3A_40 : vector<192x128xf32>
    %sub3A_237 = arith.subf %add3A_236, %mul3A_234 : vector<192x128xf32>
    %div3A_238 = arith.divf %mul3A_234, %sub3A_237 : vector<192x128xf32>
    %gt3A_239 = arith.cmpf ogt, %div3A_238, %select_n3A_165 : vector<192x128xf32>
    %select_n3A_240 = arith.select %gt3A_239, %div3A_238, %select_n3A_165 : vector<192x128xi1>, vector<192x128xf32>
    %broadcast_in_dim3A_241 = vector.broadcast %get3A_197 : f32 to vector<192x128xf32>
    %select_n3A_242 = arith.select %gt3A_239, %broadcast_in_dim3A_241, %select_n3A_167 : vector<192x128xi1>, vector<192x128xf32>
    %broadcast_in_dim3A_243 = vector.broadcast %get3A_201 : f32 to vector<192x128xf32>
    %select_n3A_244 = arith.select %gt3A_239, %broadcast_in_dim3A_243, %select_n3A_169 : vector<192x128xi1>, vector<192x128xf32>
    %broadcast_in_dim3A_245 = vector.broadcast %get3A_205 : f32 to vector<192x128xf32>
    %select_n3A_246 = arith.select %gt3A_239, %broadcast_in_dim3A_245, %select_n3A_171 : vector<192x128xi1>, vector<192x128xf32>
    %broadcast_in_dim3A_247 = vector.broadcast %get3A_209 : f32 to vector<192x128xf32>
    %select_n3A_248 = arith.select %gt3A_239, %broadcast_in_dim3A_247, %select_n3A_173 : vector<192x128xi1>, vector<192x128xf32>
    %broadcast_in_dim3A_249 = vector.broadcast %convert_element_type3A_214 : i32 to vector<192x128xi32>
    %select_n3A_250 = arith.select %gt3A_239, %broadcast_in_dim3A_249, %select_n3A_175 : vector<192x128xi1>, vector<192x128xi32>
    %reduce_max3A_251 = vector.shape_cast %div3A_238 : vector<192x128xf32> to vector<1x192x128xf32>
    %reduce_max3A_252 = arith.constant dense<0xFF800000> : vector<1xf32>
    %reduce_max3A_253 = vector.multi_reduction <maximumf>, %reduce_max3A_251, %reduce_max3A_252 [1, 2] : vector<1x192x128xf32> to vector<1xf32>
    %reduce_max3A_254 = vector.shape_cast %reduce_max3A_253 : vector<1xf32> to vector<1x1x1xf32>
    %reduce_max3A_255 = vector.extract %reduce_max3A_254[0, 0, 0] : f32 from vector<1x1x1xf32>
    %eq3A_256 = vector.broadcast %reduce_max3A_255 : f32 to vector<192x128xf32>
    %eq3A_257 = arith.cmpf oeq, %div3A_238, %eq3A_256 : vector<192x128xf32>
    %jit3A_258 = arith.constant 1073741824 : i32
    %broadcast_in_dim3A_259 = vector.broadcast %jit3A_258 : i32 to vector<192x128xi32>
    %select_n3A_260 = arith.select %eq3A_257, %add3A, %broadcast_in_dim3A_259 : vector<192x128xi1>, vector<192x128xi32>
    %reduce_min3A_261 = vector.shape_cast %select_n3A_260 : vector<192x128xi32> to vector<1x192x128xi32>
    %reduce_min3A_262 = arith.constant dense<2147483647> : vector<1xi32>
    %reduce_min3A_263 = vector.multi_reduction <minsi>, %reduce_min3A_261, %reduce_min3A_262 [1, 2] : vector<1x192x128xi32> to vector<1xi32>
    %reduce_min3A_264 = vector.shape_cast %reduce_min3A_263 : vector<1xi32> to vector<1x1x1xi32>
    %reduce_min3A_265 = vector.extract %reduce_min3A_264[0, 0, 0] : i32 from vector<1x1x1xi32>
    %eq3A_266 = vector.broadcast %reduce_min3A_265 : i32 to vector<192x128xi32>
    %eq3A_267 = arith.cmpi eq, %add3A, %eq3A_266 : vector<192x128xi32>
    %or3A_268 = arith.ori %or3A_193, %eq3A_267 : vector<192x128xi1>
    %get3A_269 = arith.constant 0 : index
    %get3A_270 = arith.constant 0 : index
    %get3A_271 = arith.constant 3 : index
    %get3A_272 = memref.load %arg1[%get3A_269, %get3A_270, %get3A_271] : memref<1x5x24xf32, #tpu.memory_space<smem>>
    %get3A_273 = arith.constant 0 : index
    %get3A_274 = arith.constant 1 : index
    %get3A_275 = arith.constant 3 : index
    %get3A_276 = memref.load %arg1[%get3A_273, %get3A_274, %get3A_275] : memref<1x5x24xf32, #tpu.memory_space<smem>>
    %get3A_277 = arith.constant 0 : index
    %get3A_278 = arith.constant 2 : index
    %get3A_279 = arith.constant 3 : index
    %get3A_280 = memref.load %arg1[%get3A_277, %get3A_278, %get3A_279] : memref<1x5x24xf32, #tpu.memory_space<smem>>
    %get3A_281 = arith.constant 0 : index
    %get3A_282 = arith.constant 3 : index
    %get3A_283 = arith.constant 3 : index
    %get3A_284 = memref.load %arg1[%get3A_281, %get3A_282, %get3A_283] : memref<1x5x24xf32, #tpu.memory_space<smem>>
    %get3A_285 = arith.constant 0 : index
    %get3A_286 = arith.constant 4 : index
    %get3A_287 = arith.constant 3 : index
    %get3A_288 = memref.load %arg1[%get3A_285, %get3A_286, %get3A_287] : memref<1x5x24xf32, #tpu.memory_space<smem>>
    %convert_element_type3A_289 = arith.fptosi %get3A_288 : f32 to i32
    %sub3A_290 = arith.subf %get3A_280, %get3A_272 : f32
    %sub3A_291 = arith.subf %get3A_284, %get3A_276 : f32
    %mul3A_292 = arith.mulf %sub3A_290, %sub3A_291 : f32
    %max3A_293 = vector.broadcast %get3A_272 : f32 to vector<192x128xf32>
    %max3A_294 = arith.maximumf %max3A_293, %sub3A : vector<192x128xf32>
    %max3A_295 = vector.broadcast %get3A_276 : f32 to vector<192x128xf32>
    %max3A_296 = arith.maximumf %max3A_295, %sub3A_29 : vector<192x128xf32>
    %min3A_297 = vector.broadcast %get3A_280 : f32 to vector<192x128xf32>
    %min3A_298 = arith.minimumf %min3A_297, %add3A_33 : vector<192x128xf32>
    %min3A_299 = vector.broadcast %get3A_284 : f32 to vector<192x128xf32>
    %min3A_300 = arith.minimumf %min3A_299, %add3A_37 : vector<192x128xf32>
    %sub3A_301 = arith.subf %min3A_298, %max3A_294 : vector<192x128xf32>
    %max3A_302 = arith.constant 0.000000e+00 : f32
    %max3A_303 = vector.broadcast %max3A_302 : f32 to vector<192x128xf32>
    %max3A_304 = arith.maximumf %sub3A_301, %max3A_303 : vector<192x128xf32>
    %sub3A_305 = arith.subf %min3A_300, %max3A_296 : vector<192x128xf32>
    %max3A_306 = arith.constant 0.000000e+00 : f32
    %max3A_307 = vector.broadcast %max3A_306 : f32 to vector<192x128xf32>
    %max3A_308 = arith.maximumf %sub3A_305, %max3A_307 : vector<192x128xf32>
    %mul3A_309 = arith.mulf %max3A_304, %max3A_308 : vector<192x128xf32>
    %add3A_310 = vector.broadcast %mul3A_292 : f32 to vector<192x128xf32>
    %add3A_311 = arith.addf %add3A_310, %mul3A_40 : vector<192x128xf32>
    %sub3A_312 = arith.subf %add3A_311, %mul3A_309 : vector<192x128xf32>
    %div3A_313 = arith.divf %mul3A_309, %sub3A_312 : vector<192x128xf32>
    %gt3A_314 = arith.cmpf ogt, %div3A_313, %select_n3A_240 : vector<192x128xf32>
    %select_n3A_315 = arith.select %gt3A_314, %div3A_313, %select_n3A_240 : vector<192x128xi1>, vector<192x128xf32>
    %broadcast_in_dim3A_316 = vector.broadcast %get3A_272 : f32 to vector<192x128xf32>
    %select_n3A_317 = arith.select %gt3A_314, %broadcast_in_dim3A_316, %select_n3A_242 : vector<192x128xi1>, vector<192x128xf32>
    %broadcast_in_dim3A_318 = vector.broadcast %get3A_276 : f32 to vector<192x128xf32>
    %select_n3A_319 = arith.select %gt3A_314, %broadcast_in_dim3A_318, %select_n3A_244 : vector<192x128xi1>, vector<192x128xf32>
    %broadcast_in_dim3A_320 = vector.broadcast %get3A_280 : f32 to vector<192x128xf32>
    %select_n3A_321 = arith.select %gt3A_314, %broadcast_in_dim3A_320, %select_n3A_246 : vector<192x128xi1>, vector<192x128xf32>
    %broadcast_in_dim3A_322 = vector.broadcast %get3A_284 : f32 to vector<192x128xf32>
    %select_n3A_323 = arith.select %gt3A_314, %broadcast_in_dim3A_322, %select_n3A_248 : vector<192x128xi1>, vector<192x128xf32>
    %broadcast_in_dim3A_324 = vector.broadcast %convert_element_type3A_289 : i32 to vector<192x128xi32>
    %select_n3A_325 = arith.select %gt3A_314, %broadcast_in_dim3A_324, %select_n3A_250 : vector<192x128xi1>, vector<192x128xi32>
    %reduce_max3A_326 = vector.shape_cast %div3A_313 : vector<192x128xf32> to vector<1x192x128xf32>
    %reduce_max3A_327 = arith.constant dense<0xFF800000> : vector<1xf32>
    %reduce_max3A_328 = vector.multi_reduction <maximumf>, %reduce_max3A_326, %reduce_max3A_327 [1, 2] : vector<1x192x128xf32> to vector<1xf32>
    %reduce_max3A_329 = vector.shape_cast %reduce_max3A_328 : vector<1xf32> to vector<1x1x1xf32>
    %reduce_max3A_330 = vector.extract %reduce_max3A_329[0, 0, 0] : f32 from vector<1x1x1xf32>
    %eq3A_331 = vector.broadcast %reduce_max3A_330 : f32 to vector<192x128xf32>
    %eq3A_332 = arith.cmpf oeq, %div3A_313, %eq3A_331 : vector<192x128xf32>
    %jit3A_333 = arith.constant 1073741824 : i32
    %broadcast_in_dim3A_334 = vector.broadcast %jit3A_333 : i32 to vector<192x128xi32>
    %select_n3A_335 = arith.select %eq3A_332, %add3A, %broadcast_in_dim3A_334 : vector<192x128xi1>, vector<192x128xi32>
    %reduce_min3A_336 = vector.shape_cast %select_n3A_335 : vector<192x128xi32> to vector<1x192x128xi32>
    %reduce_min3A_337 = arith.constant dense<2147483647> : vector<1xi32>
    %reduce_min3A_338 = vector.multi_reduction <minsi>, %reduce_min3A_336, %reduce_min3A_337 [1, 2] : vector<1x192x128xi32> to vector<1xi32>
    %reduce_min3A_339 = vector.shape_cast %reduce_min3A_338 : vector<1xi32> to vector<1x1x1xi32>
    %reduce_min3A_340 = vector.extract %reduce_min3A_339[0, 0, 0] : i32 from vector<1x1x1xi32>
    %eq3A_341 = vector.broadcast %reduce_min3A_340 : i32 to vector<192x128xi32>
    %eq3A_342 = arith.cmpi eq, %add3A, %eq3A_341 : vector<192x128xi32>
    %or3A_343 = arith.ori %or3A_268, %eq3A_342 : vector<192x128xi1>
    %get3A_344 = arith.constant 0 : index
    %get3A_345 = arith.constant 0 : index
    %get3A_346 = arith.constant 4 : index
    %get3A_347 = memref.load %arg1[%get3A_344, %get3A_345, %get3A_346] : memref<1x5x24xf32, #tpu.memory_space<smem>>
    %get3A_348 = arith.constant 0 : index
    %get3A_349 = arith.constant 1 : index
    %get3A_350 = arith.constant 4 : index
    %get3A_351 = memref.load %arg1[%get3A_348, %get3A_349, %get3A_350] : memref<1x5x24xf32, #tpu.memory_space<smem>>
    %get3A_352 = arith.constant 0 : index
    %get3A_353 = arith.constant 2 : index
    %get3A_354 = arith.constant 4 : index
    %get3A_355 = memref.load %arg1[%get3A_352, %get3A_353, %get3A_354] : memref<1x5x24xf32, #tpu.memory_space<smem>>
    %get3A_356 = arith.constant 0 : index
    %get3A_357 = arith.constant 3 : index
    %get3A_358 = arith.constant 4 : index
    %get3A_359 = memref.load %arg1[%get3A_356, %get3A_357, %get3A_358] : memref<1x5x24xf32, #tpu.memory_space<smem>>
    %get3A_360 = arith.constant 0 : index
    %get3A_361 = arith.constant 4 : index
    %get3A_362 = arith.constant 4 : index
    %get3A_363 = memref.load %arg1[%get3A_360, %get3A_361, %get3A_362] : memref<1x5x24xf32, #tpu.memory_space<smem>>
    %convert_element_type3A_364 = arith.fptosi %get3A_363 : f32 to i32
    %sub3A_365 = arith.subf %get3A_355, %get3A_347 : f32
    %sub3A_366 = arith.subf %get3A_359, %get3A_351 : f32
    %mul3A_367 = arith.mulf %sub3A_365, %sub3A_366 : f32
    %max3A_368 = vector.broadcast %get3A_347 : f32 to vector<192x128xf32>
    %max3A_369 = arith.maximumf %max3A_368, %sub3A : vector<192x128xf32>
    %max3A_370 = vector.broadcast %get3A_351 : f32 to vector<192x128xf32>
    %max3A_371 = arith.maximumf %max3A_370, %sub3A_29 : vector<192x128xf32>
    %min3A_372 = vector.broadcast %get3A_355 : f32 to vector<192x128xf32>
    %min3A_373 = arith.minimumf %min3A_372, %add3A_33 : vector<192x128xf32>
    %min3A_374 = vector.broadcast %get3A_359 : f32 to vector<192x128xf32>
    %min3A_375 = arith.minimumf %min3A_374, %add3A_37 : vector<192x128xf32>
    %sub3A_376 = arith.subf %min3A_373, %max3A_369 : vector<192x128xf32>
    %max3A_377 = arith.constant 0.000000e+00 : f32
    %max3A_378 = vector.broadcast %max3A_377 : f32 to vector<192x128xf32>
    %max3A_379 = arith.maximumf %sub3A_376, %max3A_378 : vector<192x128xf32>
    %sub3A_380 = arith.subf %min3A_375, %max3A_371 : vector<192x128xf32>
    %max3A_381 = arith.constant 0.000000e+00 : f32
    %max3A_382 = vector.broadcast %max3A_381 : f32 to vector<192x128xf32>
    %max3A_383 = arith.maximumf %sub3A_380, %max3A_382 : vector<192x128xf32>
    %mul3A_384 = arith.mulf %max3A_379, %max3A_383 : vector<192x128xf32>
    %add3A_385 = vector.broadcast %mul3A_367 : f32 to vector<192x128xf32>
    %add3A_386 = arith.addf %add3A_385, %mul3A_40 : vector<192x128xf32>
    %sub3A_387 = arith.subf %add3A_386, %mul3A_384 : vector<192x128xf32>
    %div3A_388 = arith.divf %mul3A_384, %sub3A_387 : vector<192x128xf32>
    %gt3A_389 = arith.cmpf ogt, %div3A_388, %select_n3A_315 : vector<192x128xf32>
    %select_n3A_390 = arith.select %gt3A_389, %div3A_388, %select_n3A_315 : vector<192x128xi1>, vector<192x128xf32>
    %broadcast_in_dim3A_391 = vector.broadcast %get3A_347 : f32 to vector<192x128xf32>
    %select_n3A_392 = arith.select %gt3A_389, %broadcast_in_dim3A_391, %select_n3A_317 : vector<192x128xi1>, vector<192x128xf32>
    %broadcast_in_dim3A_393 = vector.broadcast %get3A_351 : f32 to vector<192x128xf32>
    %select_n3A_394 = arith.select %gt3A_389, %broadcast_in_dim3A_393, %select_n3A_319 : vector<192x128xi1>, vector<192x128xf32>
    %broadcast_in_dim3A_395 = vector.broadcast %get3A_355 : f32 to vector<192x128xf32>
    %select_n3A_396 = arith.select %gt3A_389, %broadcast_in_dim3A_395, %select_n3A_321 : vector<192x128xi1>, vector<192x128xf32>
    %broadcast_in_dim3A_397 = vector.broadcast %get3A_359 : f32 to vector<192x128xf32>
    %select_n3A_398 = arith.select %gt3A_389, %broadcast_in_dim3A_397, %select_n3A_323 : vector<192x128xi1>, vector<192x128xf32>
    %broadcast_in_dim3A_399 = vector.broadcast %convert_element_type3A_364 : i32 to vector<192x128xi32>
    %select_n3A_400 = arith.select %gt3A_389, %broadcast_in_dim3A_399, %select_n3A_325 : vector<192x128xi1>, vector<192x128xi32>
    %reduce_max3A_401 = vector.shape_cast %div3A_388 : vector<192x128xf32> to vector<1x192x128xf32>
    %reduce_max3A_402 = arith.constant dense<0xFF800000> : vector<1xf32>
    %reduce_max3A_403 = vector.multi_reduction <maximumf>, %reduce_max3A_401, %reduce_max3A_402 [1, 2] : vector<1x192x128xf32> to vector<1xf32>
    %reduce_max3A_404 = vector.shape_cast %reduce_max3A_403 : vector<1xf32> to vector<1x1x1xf32>
    %reduce_max3A_405 = vector.extract %reduce_max3A_404[0, 0, 0] : f32 from vector<1x1x1xf32>
    %eq3A_406 = vector.broadcast %reduce_max3A_405 : f32 to vector<192x128xf32>
    %eq3A_407 = arith.cmpf oeq, %div3A_388, %eq3A_406 : vector<192x128xf32>
    %jit3A_408 = arith.constant 1073741824 : i32
    %broadcast_in_dim3A_409 = vector.broadcast %jit3A_408 : i32 to vector<192x128xi32>
    %select_n3A_410 = arith.select %eq3A_407, %add3A, %broadcast_in_dim3A_409 : vector<192x128xi1>, vector<192x128xi32>
    %reduce_min3A_411 = vector.shape_cast %select_n3A_410 : vector<192x128xi32> to vector<1x192x128xi32>
    %reduce_min3A_412 = arith.constant dense<2147483647> : vector<1xi32>
    %reduce_min3A_413 = vector.multi_reduction <minsi>, %reduce_min3A_411, %reduce_min3A_412 [1, 2] : vector<1x192x128xi32> to vector<1xi32>
    %reduce_min3A_414 = vector.shape_cast %reduce_min3A_413 : vector<1xi32> to vector<1x1x1xi32>
    %reduce_min3A_415 = vector.extract %reduce_min3A_414[0, 0, 0] : i32 from vector<1x1x1xi32>
    %eq3A_416 = vector.broadcast %reduce_min3A_415 : i32 to vector<192x128xi32>
    %eq3A_417 = arith.cmpi eq, %add3A, %eq3A_416 : vector<192x128xi32>
    %or3A_418 = arith.ori %or3A_343, %eq3A_417 : vector<192x128xi1>
    %get3A_419 = arith.constant 0 : index
    %get3A_420 = arith.constant 0 : index
    %get3A_421 = arith.constant 5 : index
    %get3A_422 = memref.load %arg1[%get3A_419, %get3A_420, %get3A_421] : memref<1x5x24xf32, #tpu.memory_space<smem>>
    %get3A_423 = arith.constant 0 : index
    %get3A_424 = arith.constant 1 : index
    %get3A_425 = arith.constant 5 : index
    %get3A_426 = memref.load %arg1[%get3A_423, %get3A_424, %get3A_425] : memref<1x5x24xf32, #tpu.memory_space<smem>>
    %get3A_427 = arith.constant 0 : index
    %get3A_428 = arith.constant 2 : index
    %get3A_429 = arith.constant 5 : index
    %get3A_430 = memref.load %arg1[%get3A_427, %get3A_428, %get3A_429] : memref<1x5x24xf32, #tpu.memory_space<smem>>
    %get3A_431 = arith.constant 0 : index
    %get3A_432 = arith.constant 3 : index
    %get3A_433 = arith.constant 5 : index
    %get3A_434 = memref.load %arg1[%get3A_431, %get3A_432, %get3A_433] : memref<1x5x24xf32, #tpu.memory_space<smem>>
    %get3A_435 = arith.constant 0 : index
    %get3A_436 = arith.constant 4 : index
    %get3A_437 = arith.constant 5 : index
    %get3A_438 = memref.load %arg1[%get3A_435, %get3A_436, %get3A_437] : memref<1x5x24xf32, #tpu.memory_space<smem>>
    %convert_element_type3A_439 = arith.fptosi %get3A_438 : f32 to i32
    %sub3A_440 = arith.subf %get3A_430, %get3A_422 : f32
    %sub3A_441 = arith.subf %get3A_434, %get3A_426 : f32
    %mul3A_442 = arith.mulf %sub3A_440, %sub3A_441 : f32
    %max3A_443 = vector.broadcast %get3A_422 : f32 to vector<192x128xf32>
    %max3A_444 = arith.maximumf %max3A_443, %sub3A : vector<192x128xf32>
    %max3A_445 = vector.broadcast %get3A_426 : f32 to vector<192x128xf32>
    %max3A_446 = arith.maximumf %max3A_445, %sub3A_29 : vector<192x128xf32>
    %min3A_447 = vector.broadcast %get3A_430 : f32 to vector<192x128xf32>
    %min3A_448 = arith.minimumf %min3A_447, %add3A_33 : vector<192x128xf32>
    %min3A_449 = vector.broadcast %get3A_434 : f32 to vector<192x128xf32>
    %min3A_450 = arith.minimumf %min3A_449, %add3A_37 : vector<192x128xf32>
    %sub3A_451 = arith.subf %min3A_448, %max3A_444 : vector<192x128xf32>
    %max3A_452 = arith.constant 0.000000e+00 : f32
    %max3A_453 = vector.broadcast %max3A_452 : f32 to vector<192x128xf32>
    %max3A_454 = arith.maximumf %sub3A_451, %max3A_453 : vector<192x128xf32>
    %sub3A_455 = arith.subf %min3A_450, %max3A_446 : vector<192x128xf32>
    %max3A_456 = arith.constant 0.000000e+00 : f32
    %max3A_457 = vector.broadcast %max3A_456 : f32 to vector<192x128xf32>
    %max3A_458 = arith.maximumf %sub3A_455, %max3A_457 : vector<192x128xf32>
    %mul3A_459 = arith.mulf %max3A_454, %max3A_458 : vector<192x128xf32>
    %add3A_460 = vector.broadcast %mul3A_442 : f32 to vector<192x128xf32>
    %add3A_461 = arith.addf %add3A_460, %mul3A_40 : vector<192x128xf32>
    %sub3A_462 = arith.subf %add3A_461, %mul3A_459 : vector<192x128xf32>
    %div3A_463 = arith.divf %mul3A_459, %sub3A_462 : vector<192x128xf32>
    %gt3A_464 = arith.cmpf ogt, %div3A_463, %select_n3A_390 : vector<192x128xf32>
    %select_n3A_465 = arith.select %gt3A_464, %div3A_463, %select_n3A_390 : vector<192x128xi1>, vector<192x128xf32>
    %broadcast_in_dim3A_466 = vector.broadcast %get3A_422 : f32 to vector<192x128xf32>
    %select_n3A_467 = arith.select %gt3A_464, %broadcast_in_dim3A_466, %select_n3A_392 : vector<192x128xi1>, vector<192x128xf32>
    %broadcast_in_dim3A_468 = vector.broadcast %get3A_426 : f32 to vector<192x128xf32>
    %select_n3A_469 = arith.select %gt3A_464, %broadcast_in_dim3A_468, %select_n3A_394 : vector<192x128xi1>, vector<192x128xf32>
    %broadcast_in_dim3A_470 = vector.broadcast %get3A_430 : f32 to vector<192x128xf32>
    %select_n3A_471 = arith.select %gt3A_464, %broadcast_in_dim3A_470, %select_n3A_396 : vector<192x128xi1>, vector<192x128xf32>
    %broadcast_in_dim3A_472 = vector.broadcast %get3A_434 : f32 to vector<192x128xf32>
    %select_n3A_473 = arith.select %gt3A_464, %broadcast_in_dim3A_472, %select_n3A_398 : vector<192x128xi1>, vector<192x128xf32>
    %broadcast_in_dim3A_474 = vector.broadcast %convert_element_type3A_439 : i32 to vector<192x128xi32>
    %select_n3A_475 = arith.select %gt3A_464, %broadcast_in_dim3A_474, %select_n3A_400 : vector<192x128xi1>, vector<192x128xi32>
    %reduce_max3A_476 = vector.shape_cast %div3A_463 : vector<192x128xf32> to vector<1x192x128xf32>
    %reduce_max3A_477 = arith.constant dense<0xFF800000> : vector<1xf32>
    %reduce_max3A_478 = vector.multi_reduction <maximumf>, %reduce_max3A_476, %reduce_max3A_477 [1, 2] : vector<1x192x128xf32> to vector<1xf32>
    %reduce_max3A_479 = vector.shape_cast %reduce_max3A_478 : vector<1xf32> to vector<1x1x1xf32>
    %reduce_max3A_480 = vector.extract %reduce_max3A_479[0, 0, 0] : f32 from vector<1x1x1xf32>
    %eq3A_481 = vector.broadcast %reduce_max3A_480 : f32 to vector<192x128xf32>
    %eq3A_482 = arith.cmpf oeq, %div3A_463, %eq3A_481 : vector<192x128xf32>
    %jit3A_483 = arith.constant 1073741824 : i32
    %broadcast_in_dim3A_484 = vector.broadcast %jit3A_483 : i32 to vector<192x128xi32>
    %select_n3A_485 = arith.select %eq3A_482, %add3A, %broadcast_in_dim3A_484 : vector<192x128xi1>, vector<192x128xi32>
    %reduce_min3A_486 = vector.shape_cast %select_n3A_485 : vector<192x128xi32> to vector<1x192x128xi32>
    %reduce_min3A_487 = arith.constant dense<2147483647> : vector<1xi32>
    %reduce_min3A_488 = vector.multi_reduction <minsi>, %reduce_min3A_486, %reduce_min3A_487 [1, 2] : vector<1x192x128xi32> to vector<1xi32>
    %reduce_min3A_489 = vector.shape_cast %reduce_min3A_488 : vector<1xi32> to vector<1x1x1xi32>
    %reduce_min3A_490 = vector.extract %reduce_min3A_489[0, 0, 0] : i32 from vector<1x1x1xi32>
    %eq3A_491 = vector.broadcast %reduce_min3A_490 : i32 to vector<192x128xi32>
    %eq3A_492 = arith.cmpi eq, %add3A, %eq3A_491 : vector<192x128xi32>
    %or3A_493 = arith.ori %or3A_418, %eq3A_492 : vector<192x128xi1>
    %get3A_494 = arith.constant 0 : index
    %get3A_495 = arith.constant 0 : index
    %get3A_496 = arith.constant 6 : index
    %get3A_497 = memref.load %arg1[%get3A_494, %get3A_495, %get3A_496] : memref<1x5x24xf32, #tpu.memory_space<smem>>
    %get3A_498 = arith.constant 0 : index
    %get3A_499 = arith.constant 1 : index
    %get3A_500 = arith.constant 6 : index
    %get3A_501 = memref.load %arg1[%get3A_498, %get3A_499, %get3A_500] : memref<1x5x24xf32, #tpu.memory_space<smem>>
    %get3A_502 = arith.constant 0 : index
    %get3A_503 = arith.constant 2 : index
    %get3A_504 = arith.constant 6 : index
    %get3A_505 = memref.load %arg1[%get3A_502, %get3A_503, %get3A_504] : memref<1x5x24xf32, #tpu.memory_space<smem>>
    %get3A_506 = arith.constant 0 : index
    %get3A_507 = arith.constant 3 : index
    %get3A_508 = arith.constant 6 : index
    %get3A_509 = memref.load %arg1[%get3A_506, %get3A_507, %get3A_508] : memref<1x5x24xf32, #tpu.memory_space<smem>>
    %get3A_510 = arith.constant 0 : index
    %get3A_511 = arith.constant 4 : index
    %get3A_512 = arith.constant 6 : index
    %get3A_513 = memref.load %arg1[%get3A_510, %get3A_511, %get3A_512] : memref<1x5x24xf32, #tpu.memory_space<smem>>
    %convert_element_type3A_514 = arith.fptosi %get3A_513 : f32 to i32
    %sub3A_515 = arith.subf %get3A_505, %get3A_497 : f32
    %sub3A_516 = arith.subf %get3A_509, %get3A_501 : f32
    %mul3A_517 = arith.mulf %sub3A_515, %sub3A_516 : f32
    %max3A_518 = vector.broadcast %get3A_497 : f32 to vector<192x128xf32>
    %max3A_519 = arith.maximumf %max3A_518, %sub3A : vector<192x128xf32>
    %max3A_520 = vector.broadcast %get3A_501 : f32 to vector<192x128xf32>
    %max3A_521 = arith.maximumf %max3A_520, %sub3A_29 : vector<192x128xf32>
    %min3A_522 = vector.broadcast %get3A_505 : f32 to vector<192x128xf32>
    %min3A_523 = arith.minimumf %min3A_522, %add3A_33 : vector<192x128xf32>
    %min3A_524 = vector.broadcast %get3A_509 : f32 to vector<192x128xf32>
    %min3A_525 = arith.minimumf %min3A_524, %add3A_37 : vector<192x128xf32>
    %sub3A_526 = arith.subf %min3A_523, %max3A_519 : vector<192x128xf32>
    %max3A_527 = arith.constant 0.000000e+00 : f32
    %max3A_528 = vector.broadcast %max3A_527 : f32 to vector<192x128xf32>
    %max3A_529 = arith.maximumf %sub3A_526, %max3A_528 : vector<192x128xf32>
    %sub3A_530 = arith.subf %min3A_525, %max3A_521 : vector<192x128xf32>
    %max3A_531 = arith.constant 0.000000e+00 : f32
    %max3A_532 = vector.broadcast %max3A_531 : f32 to vector<192x128xf32>
    %max3A_533 = arith.maximumf %sub3A_530, %max3A_532 : vector<192x128xf32>
    %mul3A_534 = arith.mulf %max3A_529, %max3A_533 : vector<192x128xf32>
    %add3A_535 = vector.broadcast %mul3A_517 : f32 to vector<192x128xf32>
    %add3A_536 = arith.addf %add3A_535, %mul3A_40 : vector<192x128xf32>
    %sub3A_537 = arith.subf %add3A_536, %mul3A_534 : vector<192x128xf32>
    %div3A_538 = arith.divf %mul3A_534, %sub3A_537 : vector<192x128xf32>
    %gt3A_539 = arith.cmpf ogt, %div3A_538, %select_n3A_465 : vector<192x128xf32>
    %select_n3A_540 = arith.select %gt3A_539, %div3A_538, %select_n3A_465 : vector<192x128xi1>, vector<192x128xf32>
    %broadcast_in_dim3A_541 = vector.broadcast %get3A_497 : f32 to vector<192x128xf32>
    %select_n3A_542 = arith.select %gt3A_539, %broadcast_in_dim3A_541, %select_n3A_467 : vector<192x128xi1>, vector<192x128xf32>
    %broadcast_in_dim3A_543 = vector.broadcast %get3A_501 : f32 to vector<192x128xf32>
    %select_n3A_544 = arith.select %gt3A_539, %broadcast_in_dim3A_543, %select_n3A_469 : vector<192x128xi1>, vector<192x128xf32>
    %broadcast_in_dim3A_545 = vector.broadcast %get3A_505 : f32 to vector<192x128xf32>
    %select_n3A_546 = arith.select %gt3A_539, %broadcast_in_dim3A_545, %select_n3A_471 : vector<192x128xi1>, vector<192x128xf32>
    %broadcast_in_dim3A_547 = vector.broadcast %get3A_509 : f32 to vector<192x128xf32>
    %select_n3A_548 = arith.select %gt3A_539, %broadcast_in_dim3A_547, %select_n3A_473 : vector<192x128xi1>, vector<192x128xf32>
    %broadcast_in_dim3A_549 = vector.broadcast %convert_element_type3A_514 : i32 to vector<192x128xi32>
    %select_n3A_550 = arith.select %gt3A_539, %broadcast_in_dim3A_549, %select_n3A_475 : vector<192x128xi1>, vector<192x128xi32>
    %reduce_max3A_551 = vector.shape_cast %div3A_538 : vector<192x128xf32> to vector<1x192x128xf32>
    %reduce_max3A_552 = arith.constant dense<0xFF800000> : vector<1xf32>
    %reduce_max3A_553 = vector.multi_reduction <maximumf>, %reduce_max3A_551, %reduce_max3A_552 [1, 2] : vector<1x192x128xf32> to vector<1xf32>
    %reduce_max3A_554 = vector.shape_cast %reduce_max3A_553 : vector<1xf32> to vector<1x1x1xf32>
    %reduce_max3A_555 = vector.extract %reduce_max3A_554[0, 0, 0] : f32 from vector<1x1x1xf32>
    %eq3A_556 = vector.broadcast %reduce_max3A_555 : f32 to vector<192x128xf32>
    %eq3A_557 = arith.cmpf oeq, %div3A_538, %eq3A_556 : vector<192x128xf32>
    %jit3A_558 = arith.constant 1073741824 : i32
    %broadcast_in_dim3A_559 = vector.broadcast %jit3A_558 : i32 to vector<192x128xi32>
    %select_n3A_560 = arith.select %eq3A_557, %add3A, %broadcast_in_dim3A_559 : vector<192x128xi1>, vector<192x128xi32>
    %reduce_min3A_561 = vector.shape_cast %select_n3A_560 : vector<192x128xi32> to vector<1x192x128xi32>
    %reduce_min3A_562 = arith.constant dense<2147483647> : vector<1xi32>
    %reduce_min3A_563 = vector.multi_reduction <minsi>, %reduce_min3A_561, %reduce_min3A_562 [1, 2] : vector<1x192x128xi32> to vector<1xi32>
    %reduce_min3A_564 = vector.shape_cast %reduce_min3A_563 : vector<1xi32> to vector<1x1x1xi32>
    %reduce_min3A_565 = vector.extract %reduce_min3A_564[0, 0, 0] : i32 from vector<1x1x1xi32>
    %eq3A_566 = vector.broadcast %reduce_min3A_565 : i32 to vector<192x128xi32>
    %eq3A_567 = arith.cmpi eq, %add3A, %eq3A_566 : vector<192x128xi32>
    %or3A_568 = arith.ori %or3A_493, %eq3A_567 : vector<192x128xi1>
    %get3A_569 = arith.constant 0 : index
    %get3A_570 = arith.constant 0 : index
    %get3A_571 = arith.constant 7 : index
    %get3A_572 = memref.load %arg1[%get3A_569, %get3A_570, %get3A_571] : memref<1x5x24xf32, #tpu.memory_space<smem>>
    %get3A_573 = arith.constant 0 : index
    %get3A_574 = arith.constant 1 : index
    %get3A_575 = arith.constant 7 : index
    %get3A_576 = memref.load %arg1[%get3A_573, %get3A_574, %get3A_575] : memref<1x5x24xf32, #tpu.memory_space<smem>>
    %get3A_577 = arith.constant 0 : index
    %get3A_578 = arith.constant 2 : index
    %get3A_579 = arith.constant 7 : index
    %get3A_580 = memref.load %arg1[%get3A_577, %get3A_578, %get3A_579] : memref<1x5x24xf32, #tpu.memory_space<smem>>
    %get3A_581 = arith.constant 0 : index
    %get3A_582 = arith.constant 3 : index
    %get3A_583 = arith.constant 7 : index
    %get3A_584 = memref.load %arg1[%get3A_581, %get3A_582, %get3A_583] : memref<1x5x24xf32, #tpu.memory_space<smem>>
    %get3A_585 = arith.constant 0 : index
    %get3A_586 = arith.constant 4 : index
    %get3A_587 = arith.constant 7 : index
    %get3A_588 = memref.load %arg1[%get3A_585, %get3A_586, %get3A_587] : memref<1x5x24xf32, #tpu.memory_space<smem>>
    %convert_element_type3A_589 = arith.fptosi %get3A_588 : f32 to i32
    %sub3A_590 = arith.subf %get3A_580, %get3A_572 : f32
    %sub3A_591 = arith.subf %get3A_584, %get3A_576 : f32
    %mul3A_592 = arith.mulf %sub3A_590, %sub3A_591 : f32
    %max3A_593 = vector.broadcast %get3A_572 : f32 to vector<192x128xf32>
    %max3A_594 = arith.maximumf %max3A_593, %sub3A : vector<192x128xf32>
    %max3A_595 = vector.broadcast %get3A_576 : f32 to vector<192x128xf32>
    %max3A_596 = arith.maximumf %max3A_595, %sub3A_29 : vector<192x128xf32>
    %min3A_597 = vector.broadcast %get3A_580 : f32 to vector<192x128xf32>
    %min3A_598 = arith.minimumf %min3A_597, %add3A_33 : vector<192x128xf32>
    %min3A_599 = vector.broadcast %get3A_584 : f32 to vector<192x128xf32>
    %min3A_600 = arith.minimumf %min3A_599, %add3A_37 : vector<192x128xf32>
    %sub3A_601 = arith.subf %min3A_598, %max3A_594 : vector<192x128xf32>
    %max3A_602 = arith.constant 0.000000e+00 : f32
    %max3A_603 = vector.broadcast %max3A_602 : f32 to vector<192x128xf32>
    %max3A_604 = arith.maximumf %sub3A_601, %max3A_603 : vector<192x128xf32>
    %sub3A_605 = arith.subf %min3A_600, %max3A_596 : vector<192x128xf32>
    %max3A_606 = arith.constant 0.000000e+00 : f32
    %max3A_607 = vector.broadcast %max3A_606 : f32 to vector<192x128xf32>
    %max3A_608 = arith.maximumf %sub3A_605, %max3A_607 : vector<192x128xf32>
    %mul3A_609 = arith.mulf %max3A_604, %max3A_608 : vector<192x128xf32>
    %add3A_610 = vector.broadcast %mul3A_592 : f32 to vector<192x128xf32>
    %add3A_611 = arith.addf %add3A_610, %mul3A_40 : vector<192x128xf32>
    %sub3A_612 = arith.subf %add3A_611, %mul3A_609 : vector<192x128xf32>
    %div3A_613 = arith.divf %mul3A_609, %sub3A_612 : vector<192x128xf32>
    %gt3A_614 = arith.cmpf ogt, %div3A_613, %select_n3A_540 : vector<192x128xf32>
    %select_n3A_615 = arith.select %gt3A_614, %div3A_613, %select_n3A_540 : vector<192x128xi1>, vector<192x128xf32>
    %broadcast_in_dim3A_616 = vector.broadcast %get3A_572 : f32 to vector<192x128xf32>
    %select_n3A_617 = arith.select %gt3A_614, %broadcast_in_dim3A_616, %select_n3A_542 : vector<192x128xi1>, vector<192x128xf32>
    %broadcast_in_dim3A_618 = vector.broadcast %get3A_576 : f32 to vector<192x128xf32>
    %select_n3A_619 = arith.select %gt3A_614, %broadcast_in_dim3A_618, %select_n3A_544 : vector<192x128xi1>, vector<192x128xf32>
    %broadcast_in_dim3A_620 = vector.broadcast %get3A_580 : f32 to vector<192x128xf32>
    %select_n3A_621 = arith.select %gt3A_614, %broadcast_in_dim3A_620, %select_n3A_546 : vector<192x128xi1>, vector<192x128xf32>
    %broadcast_in_dim3A_622 = vector.broadcast %get3A_584 : f32 to vector<192x128xf32>
    %select_n3A_623 = arith.select %gt3A_614, %broadcast_in_dim3A_622, %select_n3A_548 : vector<192x128xi1>, vector<192x128xf32>
    %broadcast_in_dim3A_624 = vector.broadcast %convert_element_type3A_589 : i32 to vector<192x128xi32>
    %select_n3A_625 = arith.select %gt3A_614, %broadcast_in_dim3A_624, %select_n3A_550 : vector<192x128xi1>, vector<192x128xi32>
    %reduce_max3A_626 = vector.shape_cast %div3A_613 : vector<192x128xf32> to vector<1x192x128xf32>
    %reduce_max3A_627 = arith.constant dense<0xFF800000> : vector<1xf32>
    %reduce_max3A_628 = vector.multi_reduction <maximumf>, %reduce_max3A_626, %reduce_max3A_627 [1, 2] : vector<1x192x128xf32> to vector<1xf32>
    %reduce_max3A_629 = vector.shape_cast %reduce_max3A_628 : vector<1xf32> to vector<1x1x1xf32>
    %reduce_max3A_630 = vector.extract %reduce_max3A_629[0, 0, 0] : f32 from vector<1x1x1xf32>
    %eq3A_631 = vector.broadcast %reduce_max3A_630 : f32 to vector<192x128xf32>
    %eq3A_632 = arith.cmpf oeq, %div3A_613, %eq3A_631 : vector<192x128xf32>
    %jit3A_633 = arith.constant 1073741824 : i32
    %broadcast_in_dim3A_634 = vector.broadcast %jit3A_633 : i32 to vector<192x128xi32>
    %select_n3A_635 = arith.select %eq3A_632, %add3A, %broadcast_in_dim3A_634 : vector<192x128xi1>, vector<192x128xi32>
    %reduce_min3A_636 = vector.shape_cast %select_n3A_635 : vector<192x128xi32> to vector<1x192x128xi32>
    %reduce_min3A_637 = arith.constant dense<2147483647> : vector<1xi32>
    %reduce_min3A_638 = vector.multi_reduction <minsi>, %reduce_min3A_636, %reduce_min3A_637 [1, 2] : vector<1x192x128xi32> to vector<1xi32>
    %reduce_min3A_639 = vector.shape_cast %reduce_min3A_638 : vector<1xi32> to vector<1x1x1xi32>
    %reduce_min3A_640 = vector.extract %reduce_min3A_639[0, 0, 0] : i32 from vector<1x1x1xi32>
    %eq3A_641 = vector.broadcast %reduce_min3A_640 : i32 to vector<192x128xi32>
    %eq3A_642 = arith.cmpi eq, %add3A, %eq3A_641 : vector<192x128xi32>
    %or3A_643 = arith.ori %or3A_568, %eq3A_642 : vector<192x128xi1>
    %get3A_644 = arith.constant 0 : index
    %get3A_645 = arith.constant 0 : index
    %get3A_646 = arith.constant 8 : index
    %get3A_647 = memref.load %arg1[%get3A_644, %get3A_645, %get3A_646] : memref<1x5x24xf32, #tpu.memory_space<smem>>
    %get3A_648 = arith.constant 0 : index
    %get3A_649 = arith.constant 1 : index
    %get3A_650 = arith.constant 8 : index
    %get3A_651 = memref.load %arg1[%get3A_648, %get3A_649, %get3A_650] : memref<1x5x24xf32, #tpu.memory_space<smem>>
    %get3A_652 = arith.constant 0 : index
    %get3A_653 = arith.constant 2 : index
    %get3A_654 = arith.constant 8 : index
    %get3A_655 = memref.load %arg1[%get3A_652, %get3A_653, %get3A_654] : memref<1x5x24xf32, #tpu.memory_space<smem>>
    %get3A_656 = arith.constant 0 : index
    %get3A_657 = arith.constant 3 : index
    %get3A_658 = arith.constant 8 : index
    %get3A_659 = memref.load %arg1[%get3A_656, %get3A_657, %get3A_658] : memref<1x5x24xf32, #tpu.memory_space<smem>>
    %get3A_660 = arith.constant 0 : index
    %get3A_661 = arith.constant 4 : index
    %get3A_662 = arith.constant 8 : index
    %get3A_663 = memref.load %arg1[%get3A_660, %get3A_661, %get3A_662] : memref<1x5x24xf32, #tpu.memory_space<smem>>
    %convert_element_type3A_664 = arith.fptosi %get3A_663 : f32 to i32
    %sub3A_665 = arith.subf %get3A_655, %get3A_647 : f32
    %sub3A_666 = arith.subf %get3A_659, %get3A_651 : f32
    %mul3A_667 = arith.mulf %sub3A_665, %sub3A_666 : f32
    %max3A_668 = vector.broadcast %get3A_647 : f32 to vector<192x128xf32>
    %max3A_669 = arith.maximumf %max3A_668, %sub3A : vector<192x128xf32>
    %max3A_670 = vector.broadcast %get3A_651 : f32 to vector<192x128xf32>
    %max3A_671 = arith.maximumf %max3A_670, %sub3A_29 : vector<192x128xf32>
    %min3A_672 = vector.broadcast %get3A_655 : f32 to vector<192x128xf32>
    %min3A_673 = arith.minimumf %min3A_672, %add3A_33 : vector<192x128xf32>
    %min3A_674 = vector.broadcast %get3A_659 : f32 to vector<192x128xf32>
    %min3A_675 = arith.minimumf %min3A_674, %add3A_37 : vector<192x128xf32>
    %sub3A_676 = arith.subf %min3A_673, %max3A_669 : vector<192x128xf32>
    %max3A_677 = arith.constant 0.000000e+00 : f32
    %max3A_678 = vector.broadcast %max3A_677 : f32 to vector<192x128xf32>
    %max3A_679 = arith.maximumf %sub3A_676, %max3A_678 : vector<192x128xf32>
    %sub3A_680 = arith.subf %min3A_675, %max3A_671 : vector<192x128xf32>
    %max3A_681 = arith.constant 0.000000e+00 : f32
    %max3A_682 = vector.broadcast %max3A_681 : f32 to vector<192x128xf32>
    %max3A_683 = arith.maximumf %sub3A_680, %max3A_682 : vector<192x128xf32>
    %mul3A_684 = arith.mulf %max3A_679, %max3A_683 : vector<192x128xf32>
    %add3A_685 = vector.broadcast %mul3A_667 : f32 to vector<192x128xf32>
    %add3A_686 = arith.addf %add3A_685, %mul3A_40 : vector<192x128xf32>
    %sub3A_687 = arith.subf %add3A_686, %mul3A_684 : vector<192x128xf32>
    %div3A_688 = arith.divf %mul3A_684, %sub3A_687 : vector<192x128xf32>
    %gt3A_689 = arith.cmpf ogt, %div3A_688, %select_n3A_615 : vector<192x128xf32>
    %select_n3A_690 = arith.select %gt3A_689, %div3A_688, %select_n3A_615 : vector<192x128xi1>, vector<192x128xf32>
    %broadcast_in_dim3A_691 = vector.broadcast %get3A_647 : f32 to vector<192x128xf32>
    %select_n3A_692 = arith.select %gt3A_689, %broadcast_in_dim3A_691, %select_n3A_617 : vector<192x128xi1>, vector<192x128xf32>
    %broadcast_in_dim3A_693 = vector.broadcast %get3A_651 : f32 to vector<192x128xf32>
    %select_n3A_694 = arith.select %gt3A_689, %broadcast_in_dim3A_693, %select_n3A_619 : vector<192x128xi1>, vector<192x128xf32>
    %broadcast_in_dim3A_695 = vector.broadcast %get3A_655 : f32 to vector<192x128xf32>
    %select_n3A_696 = arith.select %gt3A_689, %broadcast_in_dim3A_695, %select_n3A_621 : vector<192x128xi1>, vector<192x128xf32>
    %broadcast_in_dim3A_697 = vector.broadcast %get3A_659 : f32 to vector<192x128xf32>
    %select_n3A_698 = arith.select %gt3A_689, %broadcast_in_dim3A_697, %select_n3A_623 : vector<192x128xi1>, vector<192x128xf32>
    %broadcast_in_dim3A_699 = vector.broadcast %convert_element_type3A_664 : i32 to vector<192x128xi32>
    %select_n3A_700 = arith.select %gt3A_689, %broadcast_in_dim3A_699, %select_n3A_625 : vector<192x128xi1>, vector<192x128xi32>
    %reduce_max3A_701 = vector.shape_cast %div3A_688 : vector<192x128xf32> to vector<1x192x128xf32>
    %reduce_max3A_702 = arith.constant dense<0xFF800000> : vector<1xf32>
    %reduce_max3A_703 = vector.multi_reduction <maximumf>, %reduce_max3A_701, %reduce_max3A_702 [1, 2] : vector<1x192x128xf32> to vector<1xf32>
    %reduce_max3A_704 = vector.shape_cast %reduce_max3A_703 : vector<1xf32> to vector<1x1x1xf32>
    %reduce_max3A_705 = vector.extract %reduce_max3A_704[0, 0, 0] : f32 from vector<1x1x1xf32>
    %eq3A_706 = vector.broadcast %reduce_max3A_705 : f32 to vector<192x128xf32>
    %eq3A_707 = arith.cmpf oeq, %div3A_688, %eq3A_706 : vector<192x128xf32>
    %jit3A_708 = arith.constant 1073741824 : i32
    %broadcast_in_dim3A_709 = vector.broadcast %jit3A_708 : i32 to vector<192x128xi32>
    %select_n3A_710 = arith.select %eq3A_707, %add3A, %broadcast_in_dim3A_709 : vector<192x128xi1>, vector<192x128xi32>
    %reduce_min3A_711 = vector.shape_cast %select_n3A_710 : vector<192x128xi32> to vector<1x192x128xi32>
    %reduce_min3A_712 = arith.constant dense<2147483647> : vector<1xi32>
    %reduce_min3A_713 = vector.multi_reduction <minsi>, %reduce_min3A_711, %reduce_min3A_712 [1, 2] : vector<1x192x128xi32> to vector<1xi32>
    %reduce_min3A_714 = vector.shape_cast %reduce_min3A_713 : vector<1xi32> to vector<1x1x1xi32>
    %reduce_min3A_715 = vector.extract %reduce_min3A_714[0, 0, 0] : i32 from vector<1x1x1xi32>
    %eq3A_716 = vector.broadcast %reduce_min3A_715 : i32 to vector<192x128xi32>
    %eq3A_717 = arith.cmpi eq, %add3A, %eq3A_716 : vector<192x128xi32>
    %or3A_718 = arith.ori %or3A_643, %eq3A_717 : vector<192x128xi1>
    %get3A_719 = arith.constant 0 : index
    %get3A_720 = arith.constant 0 : index
    %get3A_721 = arith.constant 9 : index
    %get3A_722 = memref.load %arg1[%get3A_719, %get3A_720, %get3A_721] : memref<1x5x24xf32, #tpu.memory_space<smem>>
    %get3A_723 = arith.constant 0 : index
    %get3A_724 = arith.constant 1 : index
    %get3A_725 = arith.constant 9 : index
    %get3A_726 = memref.load %arg1[%get3A_723, %get3A_724, %get3A_725] : memref<1x5x24xf32, #tpu.memory_space<smem>>
    %get3A_727 = arith.constant 0 : index
    %get3A_728 = arith.constant 2 : index
    %get3A_729 = arith.constant 9 : index
    %get3A_730 = memref.load %arg1[%get3A_727, %get3A_728, %get3A_729] : memref<1x5x24xf32, #tpu.memory_space<smem>>
    %get3A_731 = arith.constant 0 : index
    %get3A_732 = arith.constant 3 : index
    %get3A_733 = arith.constant 9 : index
    %get3A_734 = memref.load %arg1[%get3A_731, %get3A_732, %get3A_733] : memref<1x5x24xf32, #tpu.memory_space<smem>>
    %get3A_735 = arith.constant 0 : index
    %get3A_736 = arith.constant 4 : index
    %get3A_737 = arith.constant 9 : index
    %get3A_738 = memref.load %arg1[%get3A_735, %get3A_736, %get3A_737] : memref<1x5x24xf32, #tpu.memory_space<smem>>
    %convert_element_type3A_739 = arith.fptosi %get3A_738 : f32 to i32
    %sub3A_740 = arith.subf %get3A_730, %get3A_722 : f32
    %sub3A_741 = arith.subf %get3A_734, %get3A_726 : f32
    %mul3A_742 = arith.mulf %sub3A_740, %sub3A_741 : f32
    %max3A_743 = vector.broadcast %get3A_722 : f32 to vector<192x128xf32>
    %max3A_744 = arith.maximumf %max3A_743, %sub3A : vector<192x128xf32>
    %max3A_745 = vector.broadcast %get3A_726 : f32 to vector<192x128xf32>
    %max3A_746 = arith.maximumf %max3A_745, %sub3A_29 : vector<192x128xf32>
    %min3A_747 = vector.broadcast %get3A_730 : f32 to vector<192x128xf32>
    %min3A_748 = arith.minimumf %min3A_747, %add3A_33 : vector<192x128xf32>
    %min3A_749 = vector.broadcast %get3A_734 : f32 to vector<192x128xf32>
    %min3A_750 = arith.minimumf %min3A_749, %add3A_37 : vector<192x128xf32>
    %sub3A_751 = arith.subf %min3A_748, %max3A_744 : vector<192x128xf32>
    %max3A_752 = arith.constant 0.000000e+00 : f32
    %max3A_753 = vector.broadcast %max3A_752 : f32 to vector<192x128xf32>
    %max3A_754 = arith.maximumf %sub3A_751, %max3A_753 : vector<192x128xf32>
    %sub3A_755 = arith.subf %min3A_750, %max3A_746 : vector<192x128xf32>
    %max3A_756 = arith.constant 0.000000e+00 : f32
    %max3A_757 = vector.broadcast %max3A_756 : f32 to vector<192x128xf32>
    %max3A_758 = arith.maximumf %sub3A_755, %max3A_757 : vector<192x128xf32>
    %mul3A_759 = arith.mulf %max3A_754, %max3A_758 : vector<192x128xf32>
    %add3A_760 = vector.broadcast %mul3A_742 : f32 to vector<192x128xf32>
    %add3A_761 = arith.addf %add3A_760, %mul3A_40 : vector<192x128xf32>
    %sub3A_762 = arith.subf %add3A_761, %mul3A_759 : vector<192x128xf32>
    %div3A_763 = arith.divf %mul3A_759, %sub3A_762 : vector<192x128xf32>
    %gt3A_764 = arith.cmpf ogt, %div3A_763, %select_n3A_690 : vector<192x128xf32>
    %select_n3A_765 = arith.select %gt3A_764, %div3A_763, %select_n3A_690 : vector<192x128xi1>, vector<192x128xf32>
    %broadcast_in_dim3A_766 = vector.broadcast %get3A_722 : f32 to vector<192x128xf32>
    %select_n3A_767 = arith.select %gt3A_764, %broadcast_in_dim3A_766, %select_n3A_692 : vector<192x128xi1>, vector<192x128xf32>
    %broadcast_in_dim3A_768 = vector.broadcast %get3A_726 : f32 to vector<192x128xf32>
    %select_n3A_769 = arith.select %gt3A_764, %broadcast_in_dim3A_768, %select_n3A_694 : vector<192x128xi1>, vector<192x128xf32>
    %broadcast_in_dim3A_770 = vector.broadcast %get3A_730 : f32 to vector<192x128xf32>
    %select_n3A_771 = arith.select %gt3A_764, %broadcast_in_dim3A_770, %select_n3A_696 : vector<192x128xi1>, vector<192x128xf32>
    %broadcast_in_dim3A_772 = vector.broadcast %get3A_734 : f32 to vector<192x128xf32>
    %select_n3A_773 = arith.select %gt3A_764, %broadcast_in_dim3A_772, %select_n3A_698 : vector<192x128xi1>, vector<192x128xf32>
    %broadcast_in_dim3A_774 = vector.broadcast %convert_element_type3A_739 : i32 to vector<192x128xi32>
    %select_n3A_775 = arith.select %gt3A_764, %broadcast_in_dim3A_774, %select_n3A_700 : vector<192x128xi1>, vector<192x128xi32>
    %reduce_max3A_776 = vector.shape_cast %div3A_763 : vector<192x128xf32> to vector<1x192x128xf32>
    %reduce_max3A_777 = arith.constant dense<0xFF800000> : vector<1xf32>
    %reduce_max3A_778 = vector.multi_reduction <maximumf>, %reduce_max3A_776, %reduce_max3A_777 [1, 2] : vector<1x192x128xf32> to vector<1xf32>
    %reduce_max3A_779 = vector.shape_cast %reduce_max3A_778 : vector<1xf32> to vector<1x1x1xf32>
    %reduce_max3A_780 = vector.extract %reduce_max3A_779[0, 0, 0] : f32 from vector<1x1x1xf32>
    %eq3A_781 = vector.broadcast %reduce_max3A_780 : f32 to vector<192x128xf32>
    %eq3A_782 = arith.cmpf oeq, %div3A_763, %eq3A_781 : vector<192x128xf32>
    %jit3A_783 = arith.constant 1073741824 : i32
    %broadcast_in_dim3A_784 = vector.broadcast %jit3A_783 : i32 to vector<192x128xi32>
    %select_n3A_785 = arith.select %eq3A_782, %add3A, %broadcast_in_dim3A_784 : vector<192x128xi1>, vector<192x128xi32>
    %reduce_min3A_786 = vector.shape_cast %select_n3A_785 : vector<192x128xi32> to vector<1x192x128xi32>
    %reduce_min3A_787 = arith.constant dense<2147483647> : vector<1xi32>
    %reduce_min3A_788 = vector.multi_reduction <minsi>, %reduce_min3A_786, %reduce_min3A_787 [1, 2] : vector<1x192x128xi32> to vector<1xi32>
    %reduce_min3A_789 = vector.shape_cast %reduce_min3A_788 : vector<1xi32> to vector<1x1x1xi32>
    %reduce_min3A_790 = vector.extract %reduce_min3A_789[0, 0, 0] : i32 from vector<1x1x1xi32>
    %eq3A_791 = vector.broadcast %reduce_min3A_790 : i32 to vector<192x128xi32>
    %eq3A_792 = arith.cmpi eq, %add3A, %eq3A_791 : vector<192x128xi32>
    %or3A_793 = arith.ori %or3A_718, %eq3A_792 : vector<192x128xi1>
    %get3A_794 = arith.constant 0 : index
    %get3A_795 = arith.constant 0 : index
    %get3A_796 = arith.constant 10 : index
    %get3A_797 = memref.load %arg1[%get3A_794, %get3A_795, %get3A_796] : memref<1x5x24xf32, #tpu.memory_space<smem>>
    %get3A_798 = arith.constant 0 : index
    %get3A_799 = arith.constant 1 : index
    %get3A_800 = arith.constant 10 : index
    %get3A_801 = memref.load %arg1[%get3A_798, %get3A_799, %get3A_800] : memref<1x5x24xf32, #tpu.memory_space<smem>>
    %get3A_802 = arith.constant 0 : index
    %get3A_803 = arith.constant 2 : index
    %get3A_804 = arith.constant 10 : index
    %get3A_805 = memref.load %arg1[%get3A_802, %get3A_803, %get3A_804] : memref<1x5x24xf32, #tpu.memory_space<smem>>
    %get3A_806 = arith.constant 0 : index
    %get3A_807 = arith.constant 3 : index
    %get3A_808 = arith.constant 10 : index
    %get3A_809 = memref.load %arg1[%get3A_806, %get3A_807, %get3A_808] : memref<1x5x24xf32, #tpu.memory_space<smem>>
    %get3A_810 = arith.constant 0 : index
    %get3A_811 = arith.constant 4 : index
    %get3A_812 = arith.constant 10 : index
    %get3A_813 = memref.load %arg1[%get3A_810, %get3A_811, %get3A_812] : memref<1x5x24xf32, #tpu.memory_space<smem>>
    %convert_element_type3A_814 = arith.fptosi %get3A_813 : f32 to i32
    %sub3A_815 = arith.subf %get3A_805, %get3A_797 : f32
    %sub3A_816 = arith.subf %get3A_809, %get3A_801 : f32
    %mul3A_817 = arith.mulf %sub3A_815, %sub3A_816 : f32
    %max3A_818 = vector.broadcast %get3A_797 : f32 to vector<192x128xf32>
    %max3A_819 = arith.maximumf %max3A_818, %sub3A : vector<192x128xf32>
    %max3A_820 = vector.broadcast %get3A_801 : f32 to vector<192x128xf32>
    %max3A_821 = arith.maximumf %max3A_820, %sub3A_29 : vector<192x128xf32>
    %min3A_822 = vector.broadcast %get3A_805 : f32 to vector<192x128xf32>
    %min3A_823 = arith.minimumf %min3A_822, %add3A_33 : vector<192x128xf32>
    %min3A_824 = vector.broadcast %get3A_809 : f32 to vector<192x128xf32>
    %min3A_825 = arith.minimumf %min3A_824, %add3A_37 : vector<192x128xf32>
    %sub3A_826 = arith.subf %min3A_823, %max3A_819 : vector<192x128xf32>
    %max3A_827 = arith.constant 0.000000e+00 : f32
    %max3A_828 = vector.broadcast %max3A_827 : f32 to vector<192x128xf32>
    %max3A_829 = arith.maximumf %sub3A_826, %max3A_828 : vector<192x128xf32>
    %sub3A_830 = arith.subf %min3A_825, %max3A_821 : vector<192x128xf32>
    %max3A_831 = arith.constant 0.000000e+00 : f32
    %max3A_832 = vector.broadcast %max3A_831 : f32 to vector<192x128xf32>
    %max3A_833 = arith.maximumf %sub3A_830, %max3A_832 : vector<192x128xf32>
    %mul3A_834 = arith.mulf %max3A_829, %max3A_833 : vector<192x128xf32>
    %add3A_835 = vector.broadcast %mul3A_817 : f32 to vector<192x128xf32>
    %add3A_836 = arith.addf %add3A_835, %mul3A_40 : vector<192x128xf32>
    %sub3A_837 = arith.subf %add3A_836, %mul3A_834 : vector<192x128xf32>
    %div3A_838 = arith.divf %mul3A_834, %sub3A_837 : vector<192x128xf32>
    %gt3A_839 = arith.cmpf ogt, %div3A_838, %select_n3A_765 : vector<192x128xf32>
    %select_n3A_840 = arith.select %gt3A_839, %div3A_838, %select_n3A_765 : vector<192x128xi1>, vector<192x128xf32>
    %broadcast_in_dim3A_841 = vector.broadcast %get3A_797 : f32 to vector<192x128xf32>
    %select_n3A_842 = arith.select %gt3A_839, %broadcast_in_dim3A_841, %select_n3A_767 : vector<192x128xi1>, vector<192x128xf32>
    %broadcast_in_dim3A_843 = vector.broadcast %get3A_801 : f32 to vector<192x128xf32>
    %select_n3A_844 = arith.select %gt3A_839, %broadcast_in_dim3A_843, %select_n3A_769 : vector<192x128xi1>, vector<192x128xf32>
    %broadcast_in_dim3A_845 = vector.broadcast %get3A_805 : f32 to vector<192x128xf32>
    %select_n3A_846 = arith.select %gt3A_839, %broadcast_in_dim3A_845, %select_n3A_771 : vector<192x128xi1>, vector<192x128xf32>
    %broadcast_in_dim3A_847 = vector.broadcast %get3A_809 : f32 to vector<192x128xf32>
    %select_n3A_848 = arith.select %gt3A_839, %broadcast_in_dim3A_847, %select_n3A_773 : vector<192x128xi1>, vector<192x128xf32>
    %broadcast_in_dim3A_849 = vector.broadcast %convert_element_type3A_814 : i32 to vector<192x128xi32>
    %select_n3A_850 = arith.select %gt3A_839, %broadcast_in_dim3A_849, %select_n3A_775 : vector<192x128xi1>, vector<192x128xi32>
    %reduce_max3A_851 = vector.shape_cast %div3A_838 : vector<192x128xf32> to vector<1x192x128xf32>
    %reduce_max3A_852 = arith.constant dense<0xFF800000> : vector<1xf32>
    %reduce_max3A_853 = vector.multi_reduction <maximumf>, %reduce_max3A_851, %reduce_max3A_852 [1, 2] : vector<1x192x128xf32> to vector<1xf32>
    %reduce_max3A_854 = vector.shape_cast %reduce_max3A_853 : vector<1xf32> to vector<1x1x1xf32>
    %reduce_max3A_855 = vector.extract %reduce_max3A_854[0, 0, 0] : f32 from vector<1x1x1xf32>
    %eq3A_856 = vector.broadcast %reduce_max3A_855 : f32 to vector<192x128xf32>
    %eq3A_857 = arith.cmpf oeq, %div3A_838, %eq3A_856 : vector<192x128xf32>
    %jit3A_858 = arith.constant 1073741824 : i32
    %broadcast_in_dim3A_859 = vector.broadcast %jit3A_858 : i32 to vector<192x128xi32>
    %select_n3A_860 = arith.select %eq3A_857, %add3A, %broadcast_in_dim3A_859 : vector<192x128xi1>, vector<192x128xi32>
    %reduce_min3A_861 = vector.shape_cast %select_n3A_860 : vector<192x128xi32> to vector<1x192x128xi32>
    %reduce_min3A_862 = arith.constant dense<2147483647> : vector<1xi32>
    %reduce_min3A_863 = vector.multi_reduction <minsi>, %reduce_min3A_861, %reduce_min3A_862 [1, 2] : vector<1x192x128xi32> to vector<1xi32>
    %reduce_min3A_864 = vector.shape_cast %reduce_min3A_863 : vector<1xi32> to vector<1x1x1xi32>
    %reduce_min3A_865 = vector.extract %reduce_min3A_864[0, 0, 0] : i32 from vector<1x1x1xi32>
    %eq3A_866 = vector.broadcast %reduce_min3A_865 : i32 to vector<192x128xi32>
    %eq3A_867 = arith.cmpi eq, %add3A, %eq3A_866 : vector<192x128xi32>
    %or3A_868 = arith.ori %or3A_793, %eq3A_867 : vector<192x128xi1>
    %get3A_869 = arith.constant 0 : index
    %get3A_870 = arith.constant 0 : index
    %get3A_871 = arith.constant 11 : index
    %get3A_872 = memref.load %arg1[%get3A_869, %get3A_870, %get3A_871] : memref<1x5x24xf32, #tpu.memory_space<smem>>
    %get3A_873 = arith.constant 0 : index
    %get3A_874 = arith.constant 1 : index
    %get3A_875 = arith.constant 11 : index
    %get3A_876 = memref.load %arg1[%get3A_873, %get3A_874, %get3A_875] : memref<1x5x24xf32, #tpu.memory_space<smem>>
    %get3A_877 = arith.constant 0 : index
    %get3A_878 = arith.constant 2 : index
    %get3A_879 = arith.constant 11 : index
    %get3A_880 = memref.load %arg1[%get3A_877, %get3A_878, %get3A_879] : memref<1x5x24xf32, #tpu.memory_space<smem>>
    %get3A_881 = arith.constant 0 : index
    %get3A_882 = arith.constant 3 : index
    %get3A_883 = arith.constant 11 : index
    %get3A_884 = memref.load %arg1[%get3A_881, %get3A_882, %get3A_883] : memref<1x5x24xf32, #tpu.memory_space<smem>>
    %get3A_885 = arith.constant 0 : index
    %get3A_886 = arith.constant 4 : index
    %get3A_887 = arith.constant 11 : index
    %get3A_888 = memref.load %arg1[%get3A_885, %get3A_886, %get3A_887] : memref<1x5x24xf32, #tpu.memory_space<smem>>
    %convert_element_type3A_889 = arith.fptosi %get3A_888 : f32 to i32
    %sub3A_890 = arith.subf %get3A_880, %get3A_872 : f32
    %sub3A_891 = arith.subf %get3A_884, %get3A_876 : f32
    %mul3A_892 = arith.mulf %sub3A_890, %sub3A_891 : f32
    %max3A_893 = vector.broadcast %get3A_872 : f32 to vector<192x128xf32>
    %max3A_894 = arith.maximumf %max3A_893, %sub3A : vector<192x128xf32>
    %max3A_895 = vector.broadcast %get3A_876 : f32 to vector<192x128xf32>
    %max3A_896 = arith.maximumf %max3A_895, %sub3A_29 : vector<192x128xf32>
    %min3A_897 = vector.broadcast %get3A_880 : f32 to vector<192x128xf32>
    %min3A_898 = arith.minimumf %min3A_897, %add3A_33 : vector<192x128xf32>
    %min3A_899 = vector.broadcast %get3A_884 : f32 to vector<192x128xf32>
    %min3A_900 = arith.minimumf %min3A_899, %add3A_37 : vector<192x128xf32>
    %sub3A_901 = arith.subf %min3A_898, %max3A_894 : vector<192x128xf32>
    %max3A_902 = arith.constant 0.000000e+00 : f32
    %max3A_903 = vector.broadcast %max3A_902 : f32 to vector<192x128xf32>
    %max3A_904 = arith.maximumf %sub3A_901, %max3A_903 : vector<192x128xf32>
    %sub3A_905 = arith.subf %min3A_900, %max3A_896 : vector<192x128xf32>
    %max3A_906 = arith.constant 0.000000e+00 : f32
    %max3A_907 = vector.broadcast %max3A_906 : f32 to vector<192x128xf32>
    %max3A_908 = arith.maximumf %sub3A_905, %max3A_907 : vector<192x128xf32>
    %mul3A_909 = arith.mulf %max3A_904, %max3A_908 : vector<192x128xf32>
    %add3A_910 = vector.broadcast %mul3A_892 : f32 to vector<192x128xf32>
    %add3A_911 = arith.addf %add3A_910, %mul3A_40 : vector<192x128xf32>
    %sub3A_912 = arith.subf %add3A_911, %mul3A_909 : vector<192x128xf32>
    %div3A_913 = arith.divf %mul3A_909, %sub3A_912 : vector<192x128xf32>
    %gt3A_914 = arith.cmpf ogt, %div3A_913, %select_n3A_840 : vector<192x128xf32>
    %select_n3A_915 = arith.select %gt3A_914, %div3A_913, %select_n3A_840 : vector<192x128xi1>, vector<192x128xf32>
    %broadcast_in_dim3A_916 = vector.broadcast %get3A_872 : f32 to vector<192x128xf32>
    %select_n3A_917 = arith.select %gt3A_914, %broadcast_in_dim3A_916, %select_n3A_842 : vector<192x128xi1>, vector<192x128xf32>
    %broadcast_in_dim3A_918 = vector.broadcast %get3A_876 : f32 to vector<192x128xf32>
    %select_n3A_919 = arith.select %gt3A_914, %broadcast_in_dim3A_918, %select_n3A_844 : vector<192x128xi1>, vector<192x128xf32>
    %broadcast_in_dim3A_920 = vector.broadcast %get3A_880 : f32 to vector<192x128xf32>
    %select_n3A_921 = arith.select %gt3A_914, %broadcast_in_dim3A_920, %select_n3A_846 : vector<192x128xi1>, vector<192x128xf32>
    %broadcast_in_dim3A_922 = vector.broadcast %get3A_884 : f32 to vector<192x128xf32>
    %select_n3A_923 = arith.select %gt3A_914, %broadcast_in_dim3A_922, %select_n3A_848 : vector<192x128xi1>, vector<192x128xf32>
    %broadcast_in_dim3A_924 = vector.broadcast %convert_element_type3A_889 : i32 to vector<192x128xi32>
    %select_n3A_925 = arith.select %gt3A_914, %broadcast_in_dim3A_924, %select_n3A_850 : vector<192x128xi1>, vector<192x128xi32>
    %reduce_max3A_926 = vector.shape_cast %div3A_913 : vector<192x128xf32> to vector<1x192x128xf32>
    %reduce_max3A_927 = arith.constant dense<0xFF800000> : vector<1xf32>
    %reduce_max3A_928 = vector.multi_reduction <maximumf>, %reduce_max3A_926, %reduce_max3A_927 [1, 2] : vector<1x192x128xf32> to vector<1xf32>
    %reduce_max3A_929 = vector.shape_cast %reduce_max3A_928 : vector<1xf32> to vector<1x1x1xf32>
    %reduce_max3A_930 = vector.extract %reduce_max3A_929[0, 0, 0] : f32 from vector<1x1x1xf32>
    %eq3A_931 = vector.broadcast %reduce_max3A_930 : f32 to vector<192x128xf32>
    %eq3A_932 = arith.cmpf oeq, %div3A_913, %eq3A_931 : vector<192x128xf32>
    %jit3A_933 = arith.constant 1073741824 : i32
    %broadcast_in_dim3A_934 = vector.broadcast %jit3A_933 : i32 to vector<192x128xi32>
    %select_n3A_935 = arith.select %eq3A_932, %add3A, %broadcast_in_dim3A_934 : vector<192x128xi1>, vector<192x128xi32>
    %reduce_min3A_936 = vector.shape_cast %select_n3A_935 : vector<192x128xi32> to vector<1x192x128xi32>
    %reduce_min3A_937 = arith.constant dense<2147483647> : vector<1xi32>
    %reduce_min3A_938 = vector.multi_reduction <minsi>, %reduce_min3A_936, %reduce_min3A_937 [1, 2] : vector<1x192x128xi32> to vector<1xi32>
    %reduce_min3A_939 = vector.shape_cast %reduce_min3A_938 : vector<1xi32> to vector<1x1x1xi32>
    %reduce_min3A_940 = vector.extract %reduce_min3A_939[0, 0, 0] : i32 from vector<1x1x1xi32>
    %eq3A_941 = vector.broadcast %reduce_min3A_940 : i32 to vector<192x128xi32>
    %eq3A_942 = arith.cmpi eq, %add3A, %eq3A_941 : vector<192x128xi32>
    %or3A_943 = arith.ori %or3A_868, %eq3A_942 : vector<192x128xi1>
    %get3A_944 = arith.constant 0 : index
    %get3A_945 = arith.constant 0 : index
    %get3A_946 = arith.constant 12 : index
    %get3A_947 = memref.load %arg1[%get3A_944, %get3A_945, %get3A_946] : memref<1x5x24xf32, #tpu.memory_space<smem>>
    %get3A_948 = arith.constant 0 : index
    %get3A_949 = arith.constant 1 : index
    %get3A_950 = arith.constant 12 : index
    %get3A_951 = memref.load %arg1[%get3A_948, %get3A_949, %get3A_950] : memref<1x5x24xf32, #tpu.memory_space<smem>>
    %get3A_952 = arith.constant 0 : index
    %get3A_953 = arith.constant 2 : index
    %get3A_954 = arith.constant 12 : index
    %get3A_955 = memref.load %arg1[%get3A_952, %get3A_953, %get3A_954] : memref<1x5x24xf32, #tpu.memory_space<smem>>
    %get3A_956 = arith.constant 0 : index
    %get3A_957 = arith.constant 3 : index
    %get3A_958 = arith.constant 12 : index
    %get3A_959 = memref.load %arg1[%get3A_956, %get3A_957, %get3A_958] : memref<1x5x24xf32, #tpu.memory_space<smem>>
    %get3A_960 = arith.constant 0 : index
    %get3A_961 = arith.constant 4 : index
    %get3A_962 = arith.constant 12 : index
    %get3A_963 = memref.load %arg1[%get3A_960, %get3A_961, %get3A_962] : memref<1x5x24xf32, #tpu.memory_space<smem>>
    %convert_element_type3A_964 = arith.fptosi %get3A_963 : f32 to i32
    %sub3A_965 = arith.subf %get3A_955, %get3A_947 : f32
    %sub3A_966 = arith.subf %get3A_959, %get3A_951 : f32
    %mul3A_967 = arith.mulf %sub3A_965, %sub3A_966 : f32
    %max3A_968 = vector.broadcast %get3A_947 : f32 to vector<192x128xf32>
    %max3A_969 = arith.maximumf %max3A_968, %sub3A : vector<192x128xf32>
    %max3A_970 = vector.broadcast %get3A_951 : f32 to vector<192x128xf32>
    %max3A_971 = arith.maximumf %max3A_970, %sub3A_29 : vector<192x128xf32>
    %min3A_972 = vector.broadcast %get3A_955 : f32 to vector<192x128xf32>
    %min3A_973 = arith.minimumf %min3A_972, %add3A_33 : vector<192x128xf32>
    %min3A_974 = vector.broadcast %get3A_959 : f32 to vector<192x128xf32>
    %min3A_975 = arith.minimumf %min3A_974, %add3A_37 : vector<192x128xf32>
    %sub3A_976 = arith.subf %min3A_973, %max3A_969 : vector<192x128xf32>
    %max3A_977 = arith.constant 0.000000e+00 : f32
    %max3A_978 = vector.broadcast %max3A_977 : f32 to vector<192x128xf32>
    %max3A_979 = arith.maximumf %sub3A_976, %max3A_978 : vector<192x128xf32>
    %sub3A_980 = arith.subf %min3A_975, %max3A_971 : vector<192x128xf32>
    %max3A_981 = arith.constant 0.000000e+00 : f32
    %max3A_982 = vector.broadcast %max3A_981 : f32 to vector<192x128xf32>
    %max3A_983 = arith.maximumf %sub3A_980, %max3A_982 : vector<192x128xf32>
    %mul3A_984 = arith.mulf %max3A_979, %max3A_983 : vector<192x128xf32>
    %add3A_985 = vector.broadcast %mul3A_967 : f32 to vector<192x128xf32>
    %add3A_986 = arith.addf %add3A_985, %mul3A_40 : vector<192x128xf32>
    %sub3A_987 = arith.subf %add3A_986, %mul3A_984 : vector<192x128xf32>
    %div3A_988 = arith.divf %mul3A_984, %sub3A_987 : vector<192x128xf32>
    %gt3A_989 = arith.cmpf ogt, %div3A_988, %select_n3A_915 : vector<192x128xf32>
    %select_n3A_990 = arith.select %gt3A_989, %div3A_988, %select_n3A_915 : vector<192x128xi1>, vector<192x128xf32>
    %broadcast_in_dim3A_991 = vector.broadcast %get3A_947 : f32 to vector<192x128xf32>
    %select_n3A_992 = arith.select %gt3A_989, %broadcast_in_dim3A_991, %select_n3A_917 : vector<192x128xi1>, vector<192x128xf32>
    %broadcast_in_dim3A_993 = vector.broadcast %get3A_951 : f32 to vector<192x128xf32>
    %select_n3A_994 = arith.select %gt3A_989, %broadcast_in_dim3A_993, %select_n3A_919 : vector<192x128xi1>, vector<192x128xf32>
    %broadcast_in_dim3A_995 = vector.broadcast %get3A_955 : f32 to vector<192x128xf32>
    %select_n3A_996 = arith.select %gt3A_989, %broadcast_in_dim3A_995, %select_n3A_921 : vector<192x128xi1>, vector<192x128xf32>
    %broadcast_in_dim3A_997 = vector.broadcast %get3A_959 : f32 to vector<192x128xf32>
    %select_n3A_998 = arith.select %gt3A_989, %broadcast_in_dim3A_997, %select_n3A_923 : vector<192x128xi1>, vector<192x128xf32>
    %broadcast_in_dim3A_999 = vector.broadcast %convert_element_type3A_964 : i32 to vector<192x128xi32>
    %select_n3A_1000 = arith.select %gt3A_989, %broadcast_in_dim3A_999, %select_n3A_925 : vector<192x128xi1>, vector<192x128xi32>
    %reduce_max3A_1001 = vector.shape_cast %div3A_988 : vector<192x128xf32> to vector<1x192x128xf32>
    %reduce_max3A_1002 = arith.constant dense<0xFF800000> : vector<1xf32>
    %reduce_max3A_1003 = vector.multi_reduction <maximumf>, %reduce_max3A_1001, %reduce_max3A_1002 [1, 2] : vector<1x192x128xf32> to vector<1xf32>
    %reduce_max3A_1004 = vector.shape_cast %reduce_max3A_1003 : vector<1xf32> to vector<1x1x1xf32>
    %reduce_max3A_1005 = vector.extract %reduce_max3A_1004[0, 0, 0] : f32 from vector<1x1x1xf32>
    %eq3A_1006 = vector.broadcast %reduce_max3A_1005 : f32 to vector<192x128xf32>
    %eq3A_1007 = arith.cmpf oeq, %div3A_988, %eq3A_1006 : vector<192x128xf32>
    %jit3A_1008 = arith.constant 1073741824 : i32
    %broadcast_in_dim3A_1009 = vector.broadcast %jit3A_1008 : i32 to vector<192x128xi32>
    %select_n3A_1010 = arith.select %eq3A_1007, %add3A, %broadcast_in_dim3A_1009 : vector<192x128xi1>, vector<192x128xi32>
    %reduce_min3A_1011 = vector.shape_cast %select_n3A_1010 : vector<192x128xi32> to vector<1x192x128xi32>
    %reduce_min3A_1012 = arith.constant dense<2147483647> : vector<1xi32>
    %reduce_min3A_1013 = vector.multi_reduction <minsi>, %reduce_min3A_1011, %reduce_min3A_1012 [1, 2] : vector<1x192x128xi32> to vector<1xi32>
    %reduce_min3A_1014 = vector.shape_cast %reduce_min3A_1013 : vector<1xi32> to vector<1x1x1xi32>
    %reduce_min3A_1015 = vector.extract %reduce_min3A_1014[0, 0, 0] : i32 from vector<1x1x1xi32>
    %eq3A_1016 = vector.broadcast %reduce_min3A_1015 : i32 to vector<192x128xi32>
    %eq3A_1017 = arith.cmpi eq, %add3A, %eq3A_1016 : vector<192x128xi32>
    %or3A_1018 = arith.ori %or3A_943, %eq3A_1017 : vector<192x128xi1>
    %get3A_1019 = arith.constant 0 : index
    %get3A_1020 = arith.constant 0 : index
    %get3A_1021 = arith.constant 13 : index
    %get3A_1022 = memref.load %arg1[%get3A_1019, %get3A_1020, %get3A_1021] : memref<1x5x24xf32, #tpu.memory_space<smem>>
    %get3A_1023 = arith.constant 0 : index
    %get3A_1024 = arith.constant 1 : index
    %get3A_1025 = arith.constant 13 : index
    %get3A_1026 = memref.load %arg1[%get3A_1023, %get3A_1024, %get3A_1025] : memref<1x5x24xf32, #tpu.memory_space<smem>>
    %get3A_1027 = arith.constant 0 : index
    %get3A_1028 = arith.constant 2 : index
    %get3A_1029 = arith.constant 13 : index
    %get3A_1030 = memref.load %arg1[%get3A_1027, %get3A_1028, %get3A_1029] : memref<1x5x24xf32, #tpu.memory_space<smem>>
    %get3A_1031 = arith.constant 0 : index
    %get3A_1032 = arith.constant 3 : index
    %get3A_1033 = arith.constant 13 : index
    %get3A_1034 = memref.load %arg1[%get3A_1031, %get3A_1032, %get3A_1033] : memref<1x5x24xf32, #tpu.memory_space<smem>>
    %get3A_1035 = arith.constant 0 : index
    %get3A_1036 = arith.constant 4 : index
    %get3A_1037 = arith.constant 13 : index
    %get3A_1038 = memref.load %arg1[%get3A_1035, %get3A_1036, %get3A_1037] : memref<1x5x24xf32, #tpu.memory_space<smem>>
    %convert_element_type3A_1039 = arith.fptosi %get3A_1038 : f32 to i32
    %sub3A_1040 = arith.subf %get3A_1030, %get3A_1022 : f32
    %sub3A_1041 = arith.subf %get3A_1034, %get3A_1026 : f32
    %mul3A_1042 = arith.mulf %sub3A_1040, %sub3A_1041 : f32
    %max3A_1043 = vector.broadcast %get3A_1022 : f32 to vector<192x128xf32>
    %max3A_1044 = arith.maximumf %max3A_1043, %sub3A : vector<192x128xf32>
    %max3A_1045 = vector.broadcast %get3A_1026 : f32 to vector<192x128xf32>
    %max3A_1046 = arith.maximumf %max3A_1045, %sub3A_29 : vector<192x128xf32>
    %min3A_1047 = vector.broadcast %get3A_1030 : f32 to vector<192x128xf32>
    %min3A_1048 = arith.minimumf %min3A_1047, %add3A_33 : vector<192x128xf32>
    %min3A_1049 = vector.broadcast %get3A_1034 : f32 to vector<192x128xf32>
    %min3A_1050 = arith.minimumf %min3A_1049, %add3A_37 : vector<192x128xf32>
    %sub3A_1051 = arith.subf %min3A_1048, %max3A_1044 : vector<192x128xf32>
    %max3A_1052 = arith.constant 0.000000e+00 : f32
    %max3A_1053 = vector.broadcast %max3A_1052 : f32 to vector<192x128xf32>
    %max3A_1054 = arith.maximumf %sub3A_1051, %max3A_1053 : vector<192x128xf32>
    %sub3A_1055 = arith.subf %min3A_1050, %max3A_1046 : vector<192x128xf32>
    %max3A_1056 = arith.constant 0.000000e+00 : f32
    %max3A_1057 = vector.broadcast %max3A_1056 : f32 to vector<192x128xf32>
    %max3A_1058 = arith.maximumf %sub3A_1055, %max3A_1057 : vector<192x128xf32>
    %mul3A_1059 = arith.mulf %max3A_1054, %max3A_1058 : vector<192x128xf32>
    %add3A_1060 = vector.broadcast %mul3A_1042 : f32 to vector<192x128xf32>
    %add3A_1061 = arith.addf %add3A_1060, %mul3A_40 : vector<192x128xf32>
    %sub3A_1062 = arith.subf %add3A_1061, %mul3A_1059 : vector<192x128xf32>
    %div3A_1063 = arith.divf %mul3A_1059, %sub3A_1062 : vector<192x128xf32>
    %gt3A_1064 = arith.cmpf ogt, %div3A_1063, %select_n3A_990 : vector<192x128xf32>
    %select_n3A_1065 = arith.select %gt3A_1064, %div3A_1063, %select_n3A_990 : vector<192x128xi1>, vector<192x128xf32>
    %broadcast_in_dim3A_1066 = vector.broadcast %get3A_1022 : f32 to vector<192x128xf32>
    %select_n3A_1067 = arith.select %gt3A_1064, %broadcast_in_dim3A_1066, %select_n3A_992 : vector<192x128xi1>, vector<192x128xf32>
    %broadcast_in_dim3A_1068 = vector.broadcast %get3A_1026 : f32 to vector<192x128xf32>
    %select_n3A_1069 = arith.select %gt3A_1064, %broadcast_in_dim3A_1068, %select_n3A_994 : vector<192x128xi1>, vector<192x128xf32>
    %broadcast_in_dim3A_1070 = vector.broadcast %get3A_1030 : f32 to vector<192x128xf32>
    %select_n3A_1071 = arith.select %gt3A_1064, %broadcast_in_dim3A_1070, %select_n3A_996 : vector<192x128xi1>, vector<192x128xf32>
    %broadcast_in_dim3A_1072 = vector.broadcast %get3A_1034 : f32 to vector<192x128xf32>
    %select_n3A_1073 = arith.select %gt3A_1064, %broadcast_in_dim3A_1072, %select_n3A_998 : vector<192x128xi1>, vector<192x128xf32>
    %broadcast_in_dim3A_1074 = vector.broadcast %convert_element_type3A_1039 : i32 to vector<192x128xi32>
    %select_n3A_1075 = arith.select %gt3A_1064, %broadcast_in_dim3A_1074, %select_n3A_1000 : vector<192x128xi1>, vector<192x128xi32>
    %reduce_max3A_1076 = vector.shape_cast %div3A_1063 : vector<192x128xf32> to vector<1x192x128xf32>
    %reduce_max3A_1077 = arith.constant dense<0xFF800000> : vector<1xf32>
    %reduce_max3A_1078 = vector.multi_reduction <maximumf>, %reduce_max3A_1076, %reduce_max3A_1077 [1, 2] : vector<1x192x128xf32> to vector<1xf32>
    %reduce_max3A_1079 = vector.shape_cast %reduce_max3A_1078 : vector<1xf32> to vector<1x1x1xf32>
    %reduce_max3A_1080 = vector.extract %reduce_max3A_1079[0, 0, 0] : f32 from vector<1x1x1xf32>
    %eq3A_1081 = vector.broadcast %reduce_max3A_1080 : f32 to vector<192x128xf32>
    %eq3A_1082 = arith.cmpf oeq, %div3A_1063, %eq3A_1081 : vector<192x128xf32>
    %jit3A_1083 = arith.constant 1073741824 : i32
    %broadcast_in_dim3A_1084 = vector.broadcast %jit3A_1083 : i32 to vector<192x128xi32>
    %select_n3A_1085 = arith.select %eq3A_1082, %add3A, %broadcast_in_dim3A_1084 : vector<192x128xi1>, vector<192x128xi32>
    %reduce_min3A_1086 = vector.shape_cast %select_n3A_1085 : vector<192x128xi32> to vector<1x192x128xi32>
    %reduce_min3A_1087 = arith.constant dense<2147483647> : vector<1xi32>
    %reduce_min3A_1088 = vector.multi_reduction <minsi>, %reduce_min3A_1086, %reduce_min3A_1087 [1, 2] : vector<1x192x128xi32> to vector<1xi32>
    %reduce_min3A_1089 = vector.shape_cast %reduce_min3A_1088 : vector<1xi32> to vector<1x1x1xi32>
    %reduce_min3A_1090 = vector.extract %reduce_min3A_1089[0, 0, 0] : i32 from vector<1x1x1xi32>
    %eq3A_1091 = vector.broadcast %reduce_min3A_1090 : i32 to vector<192x128xi32>
    %eq3A_1092 = arith.cmpi eq, %add3A, %eq3A_1091 : vector<192x128xi32>
    %or3A_1093 = arith.ori %or3A_1018, %eq3A_1092 : vector<192x128xi1>
    %get3A_1094 = arith.constant 0 : index
    %get3A_1095 = arith.constant 0 : index
    %get3A_1096 = arith.constant 14 : index
    %get3A_1097 = memref.load %arg1[%get3A_1094, %get3A_1095, %get3A_1096] : memref<1x5x24xf32, #tpu.memory_space<smem>>
    %get3A_1098 = arith.constant 0 : index
    %get3A_1099 = arith.constant 1 : index
    %get3A_1100 = arith.constant 14 : index
    %get3A_1101 = memref.load %arg1[%get3A_1098, %get3A_1099, %get3A_1100] : memref<1x5x24xf32, #tpu.memory_space<smem>>
    %get3A_1102 = arith.constant 0 : index
    %get3A_1103 = arith.constant 2 : index
    %get3A_1104 = arith.constant 14 : index
    %get3A_1105 = memref.load %arg1[%get3A_1102, %get3A_1103, %get3A_1104] : memref<1x5x24xf32, #tpu.memory_space<smem>>
    %get3A_1106 = arith.constant 0 : index
    %get3A_1107 = arith.constant 3 : index
    %get3A_1108 = arith.constant 14 : index
    %get3A_1109 = memref.load %arg1[%get3A_1106, %get3A_1107, %get3A_1108] : memref<1x5x24xf32, #tpu.memory_space<smem>>
    %get3A_1110 = arith.constant 0 : index
    %get3A_1111 = arith.constant 4 : index
    %get3A_1112 = arith.constant 14 : index
    %get3A_1113 = memref.load %arg1[%get3A_1110, %get3A_1111, %get3A_1112] : memref<1x5x24xf32, #tpu.memory_space<smem>>
    %convert_element_type3A_1114 = arith.fptosi %get3A_1113 : f32 to i32
    %sub3A_1115 = arith.subf %get3A_1105, %get3A_1097 : f32
    %sub3A_1116 = arith.subf %get3A_1109, %get3A_1101 : f32
    %mul3A_1117 = arith.mulf %sub3A_1115, %sub3A_1116 : f32
    %max3A_1118 = vector.broadcast %get3A_1097 : f32 to vector<192x128xf32>
    %max3A_1119 = arith.maximumf %max3A_1118, %sub3A : vector<192x128xf32>
    %max3A_1120 = vector.broadcast %get3A_1101 : f32 to vector<192x128xf32>
    %max3A_1121 = arith.maximumf %max3A_1120, %sub3A_29 : vector<192x128xf32>
    %min3A_1122 = vector.broadcast %get3A_1105 : f32 to vector<192x128xf32>
    %min3A_1123 = arith.minimumf %min3A_1122, %add3A_33 : vector<192x128xf32>
    %min3A_1124 = vector.broadcast %get3A_1109 : f32 to vector<192x128xf32>
    %min3A_1125 = arith.minimumf %min3A_1124, %add3A_37 : vector<192x128xf32>
    %sub3A_1126 = arith.subf %min3A_1123, %max3A_1119 : vector<192x128xf32>
    %max3A_1127 = arith.constant 0.000000e+00 : f32
    %max3A_1128 = vector.broadcast %max3A_1127 : f32 to vector<192x128xf32>
    %max3A_1129 = arith.maximumf %sub3A_1126, %max3A_1128 : vector<192x128xf32>
    %sub3A_1130 = arith.subf %min3A_1125, %max3A_1121 : vector<192x128xf32>
    %max3A_1131 = arith.constant 0.000000e+00 : f32
    %max3A_1132 = vector.broadcast %max3A_1131 : f32 to vector<192x128xf32>
    %max3A_1133 = arith.maximumf %sub3A_1130, %max3A_1132 : vector<192x128xf32>
    %mul3A_1134 = arith.mulf %max3A_1129, %max3A_1133 : vector<192x128xf32>
    %add3A_1135 = vector.broadcast %mul3A_1117 : f32 to vector<192x128xf32>
    %add3A_1136 = arith.addf %add3A_1135, %mul3A_40 : vector<192x128xf32>
    %sub3A_1137 = arith.subf %add3A_1136, %mul3A_1134 : vector<192x128xf32>
    %div3A_1138 = arith.divf %mul3A_1134, %sub3A_1137 : vector<192x128xf32>
    %gt3A_1139 = arith.cmpf ogt, %div3A_1138, %select_n3A_1065 : vector<192x128xf32>
    %select_n3A_1140 = arith.select %gt3A_1139, %div3A_1138, %select_n3A_1065 : vector<192x128xi1>, vector<192x128xf32>
    %broadcast_in_dim3A_1141 = vector.broadcast %get3A_1097 : f32 to vector<192x128xf32>
    %select_n3A_1142 = arith.select %gt3A_1139, %broadcast_in_dim3A_1141, %select_n3A_1067 : vector<192x128xi1>, vector<192x128xf32>
    %broadcast_in_dim3A_1143 = vector.broadcast %get3A_1101 : f32 to vector<192x128xf32>
    %select_n3A_1144 = arith.select %gt3A_1139, %broadcast_in_dim3A_1143, %select_n3A_1069 : vector<192x128xi1>, vector<192x128xf32>
    %broadcast_in_dim3A_1145 = vector.broadcast %get3A_1105 : f32 to vector<192x128xf32>
    %select_n3A_1146 = arith.select %gt3A_1139, %broadcast_in_dim3A_1145, %select_n3A_1071 : vector<192x128xi1>, vector<192x128xf32>
    %broadcast_in_dim3A_1147 = vector.broadcast %get3A_1109 : f32 to vector<192x128xf32>
    %select_n3A_1148 = arith.select %gt3A_1139, %broadcast_in_dim3A_1147, %select_n3A_1073 : vector<192x128xi1>, vector<192x128xf32>
    %broadcast_in_dim3A_1149 = vector.broadcast %convert_element_type3A_1114 : i32 to vector<192x128xi32>
    %select_n3A_1150 = arith.select %gt3A_1139, %broadcast_in_dim3A_1149, %select_n3A_1075 : vector<192x128xi1>, vector<192x128xi32>
    %reduce_max3A_1151 = vector.shape_cast %div3A_1138 : vector<192x128xf32> to vector<1x192x128xf32>
    %reduce_max3A_1152 = arith.constant dense<0xFF800000> : vector<1xf32>
    %reduce_max3A_1153 = vector.multi_reduction <maximumf>, %reduce_max3A_1151, %reduce_max3A_1152 [1, 2] : vector<1x192x128xf32> to vector<1xf32>
    %reduce_max3A_1154 = vector.shape_cast %reduce_max3A_1153 : vector<1xf32> to vector<1x1x1xf32>
    %reduce_max3A_1155 = vector.extract %reduce_max3A_1154[0, 0, 0] : f32 from vector<1x1x1xf32>
    %eq3A_1156 = vector.broadcast %reduce_max3A_1155 : f32 to vector<192x128xf32>
    %eq3A_1157 = arith.cmpf oeq, %div3A_1138, %eq3A_1156 : vector<192x128xf32>
    %jit3A_1158 = arith.constant 1073741824 : i32
    %broadcast_in_dim3A_1159 = vector.broadcast %jit3A_1158 : i32 to vector<192x128xi32>
    %select_n3A_1160 = arith.select %eq3A_1157, %add3A, %broadcast_in_dim3A_1159 : vector<192x128xi1>, vector<192x128xi32>
    %reduce_min3A_1161 = vector.shape_cast %select_n3A_1160 : vector<192x128xi32> to vector<1x192x128xi32>
    %reduce_min3A_1162 = arith.constant dense<2147483647> : vector<1xi32>
    %reduce_min3A_1163 = vector.multi_reduction <minsi>, %reduce_min3A_1161, %reduce_min3A_1162 [1, 2] : vector<1x192x128xi32> to vector<1xi32>
    %reduce_min3A_1164 = vector.shape_cast %reduce_min3A_1163 : vector<1xi32> to vector<1x1x1xi32>
    %reduce_min3A_1165 = vector.extract %reduce_min3A_1164[0, 0, 0] : i32 from vector<1x1x1xi32>
    %eq3A_1166 = vector.broadcast %reduce_min3A_1165 : i32 to vector<192x128xi32>
    %eq3A_1167 = arith.cmpi eq, %add3A, %eq3A_1166 : vector<192x128xi32>
    %or3A_1168 = arith.ori %or3A_1093, %eq3A_1167 : vector<192x128xi1>
    %get3A_1169 = arith.constant 0 : index
    %get3A_1170 = arith.constant 0 : index
    %get3A_1171 = arith.constant 15 : index
    %get3A_1172 = memref.load %arg1[%get3A_1169, %get3A_1170, %get3A_1171] : memref<1x5x24xf32, #tpu.memory_space<smem>>
    %get3A_1173 = arith.constant 0 : index
    %get3A_1174 = arith.constant 1 : index
    %get3A_1175 = arith.constant 15 : index
    %get3A_1176 = memref.load %arg1[%get3A_1173, %get3A_1174, %get3A_1175] : memref<1x5x24xf32, #tpu.memory_space<smem>>
    %get3A_1177 = arith.constant 0 : index
    %get3A_1178 = arith.constant 2 : index
    %get3A_1179 = arith.constant 15 : index
    %get3A_1180 = memref.load %arg1[%get3A_1177, %get3A_1178, %get3A_1179] : memref<1x5x24xf32, #tpu.memory_space<smem>>
    %get3A_1181 = arith.constant 0 : index
    %get3A_1182 = arith.constant 3 : index
    %get3A_1183 = arith.constant 15 : index
    %get3A_1184 = memref.load %arg1[%get3A_1181, %get3A_1182, %get3A_1183] : memref<1x5x24xf32, #tpu.memory_space<smem>>
    %get3A_1185 = arith.constant 0 : index
    %get3A_1186 = arith.constant 4 : index
    %get3A_1187 = arith.constant 15 : index
    %get3A_1188 = memref.load %arg1[%get3A_1185, %get3A_1186, %get3A_1187] : memref<1x5x24xf32, #tpu.memory_space<smem>>
    %convert_element_type3A_1189 = arith.fptosi %get3A_1188 : f32 to i32
    %sub3A_1190 = arith.subf %get3A_1180, %get3A_1172 : f32
    %sub3A_1191 = arith.subf %get3A_1184, %get3A_1176 : f32
    %mul3A_1192 = arith.mulf %sub3A_1190, %sub3A_1191 : f32
    %max3A_1193 = vector.broadcast %get3A_1172 : f32 to vector<192x128xf32>
    %max3A_1194 = arith.maximumf %max3A_1193, %sub3A : vector<192x128xf32>
    %max3A_1195 = vector.broadcast %get3A_1176 : f32 to vector<192x128xf32>
    %max3A_1196 = arith.maximumf %max3A_1195, %sub3A_29 : vector<192x128xf32>
    %min3A_1197 = vector.broadcast %get3A_1180 : f32 to vector<192x128xf32>
    %min3A_1198 = arith.minimumf %min3A_1197, %add3A_33 : vector<192x128xf32>
    %min3A_1199 = vector.broadcast %get3A_1184 : f32 to vector<192x128xf32>
    %min3A_1200 = arith.minimumf %min3A_1199, %add3A_37 : vector<192x128xf32>
    %sub3A_1201 = arith.subf %min3A_1198, %max3A_1194 : vector<192x128xf32>
    %max3A_1202 = arith.constant 0.000000e+00 : f32
    %max3A_1203 = vector.broadcast %max3A_1202 : f32 to vector<192x128xf32>
    %max3A_1204 = arith.maximumf %sub3A_1201, %max3A_1203 : vector<192x128xf32>
    %sub3A_1205 = arith.subf %min3A_1200, %max3A_1196 : vector<192x128xf32>
    %max3A_1206 = arith.constant 0.000000e+00 : f32
    %max3A_1207 = vector.broadcast %max3A_1206 : f32 to vector<192x128xf32>
    %max3A_1208 = arith.maximumf %sub3A_1205, %max3A_1207 : vector<192x128xf32>
    %mul3A_1209 = arith.mulf %max3A_1204, %max3A_1208 : vector<192x128xf32>
    %add3A_1210 = vector.broadcast %mul3A_1192 : f32 to vector<192x128xf32>
    %add3A_1211 = arith.addf %add3A_1210, %mul3A_40 : vector<192x128xf32>
    %sub3A_1212 = arith.subf %add3A_1211, %mul3A_1209 : vector<192x128xf32>
    %div3A_1213 = arith.divf %mul3A_1209, %sub3A_1212 : vector<192x128xf32>
    %gt3A_1214 = arith.cmpf ogt, %div3A_1213, %select_n3A_1140 : vector<192x128xf32>
    %select_n3A_1215 = arith.select %gt3A_1214, %div3A_1213, %select_n3A_1140 : vector<192x128xi1>, vector<192x128xf32>
    %broadcast_in_dim3A_1216 = vector.broadcast %get3A_1172 : f32 to vector<192x128xf32>
    %select_n3A_1217 = arith.select %gt3A_1214, %broadcast_in_dim3A_1216, %select_n3A_1142 : vector<192x128xi1>, vector<192x128xf32>
    %broadcast_in_dim3A_1218 = vector.broadcast %get3A_1176 : f32 to vector<192x128xf32>
    %select_n3A_1219 = arith.select %gt3A_1214, %broadcast_in_dim3A_1218, %select_n3A_1144 : vector<192x128xi1>, vector<192x128xf32>
    %broadcast_in_dim3A_1220 = vector.broadcast %get3A_1180 : f32 to vector<192x128xf32>
    %select_n3A_1221 = arith.select %gt3A_1214, %broadcast_in_dim3A_1220, %select_n3A_1146 : vector<192x128xi1>, vector<192x128xf32>
    %broadcast_in_dim3A_1222 = vector.broadcast %get3A_1184 : f32 to vector<192x128xf32>
    %select_n3A_1223 = arith.select %gt3A_1214, %broadcast_in_dim3A_1222, %select_n3A_1148 : vector<192x128xi1>, vector<192x128xf32>
    %broadcast_in_dim3A_1224 = vector.broadcast %convert_element_type3A_1189 : i32 to vector<192x128xi32>
    %select_n3A_1225 = arith.select %gt3A_1214, %broadcast_in_dim3A_1224, %select_n3A_1150 : vector<192x128xi1>, vector<192x128xi32>
    %reduce_max3A_1226 = vector.shape_cast %div3A_1213 : vector<192x128xf32> to vector<1x192x128xf32>
    %reduce_max3A_1227 = arith.constant dense<0xFF800000> : vector<1xf32>
    %reduce_max3A_1228 = vector.multi_reduction <maximumf>, %reduce_max3A_1226, %reduce_max3A_1227 [1, 2] : vector<1x192x128xf32> to vector<1xf32>
    %reduce_max3A_1229 = vector.shape_cast %reduce_max3A_1228 : vector<1xf32> to vector<1x1x1xf32>
    %reduce_max3A_1230 = vector.extract %reduce_max3A_1229[0, 0, 0] : f32 from vector<1x1x1xf32>
    %eq3A_1231 = vector.broadcast %reduce_max3A_1230 : f32 to vector<192x128xf32>
    %eq3A_1232 = arith.cmpf oeq, %div3A_1213, %eq3A_1231 : vector<192x128xf32>
    %jit3A_1233 = arith.constant 1073741824 : i32
    %broadcast_in_dim3A_1234 = vector.broadcast %jit3A_1233 : i32 to vector<192x128xi32>
    %select_n3A_1235 = arith.select %eq3A_1232, %add3A, %broadcast_in_dim3A_1234 : vector<192x128xi1>, vector<192x128xi32>
    %reduce_min3A_1236 = vector.shape_cast %select_n3A_1235 : vector<192x128xi32> to vector<1x192x128xi32>
    %reduce_min3A_1237 = arith.constant dense<2147483647> : vector<1xi32>
    %reduce_min3A_1238 = vector.multi_reduction <minsi>, %reduce_min3A_1236, %reduce_min3A_1237 [1, 2] : vector<1x192x128xi32> to vector<1xi32>
    %reduce_min3A_1239 = vector.shape_cast %reduce_min3A_1238 : vector<1xi32> to vector<1x1x1xi32>
    %reduce_min3A_1240 = vector.extract %reduce_min3A_1239[0, 0, 0] : i32 from vector<1x1x1xi32>
    %eq3A_1241 = vector.broadcast %reduce_min3A_1240 : i32 to vector<192x128xi32>
    %eq3A_1242 = arith.cmpi eq, %add3A, %eq3A_1241 : vector<192x128xi32>
    %or3A_1243 = arith.ori %or3A_1168, %eq3A_1242 : vector<192x128xi1>
    %get3A_1244 = arith.constant 0 : index
    %get3A_1245 = arith.constant 0 : index
    %get3A_1246 = arith.constant 16 : index
    %get3A_1247 = memref.load %arg1[%get3A_1244, %get3A_1245, %get3A_1246] : memref<1x5x24xf32, #tpu.memory_space<smem>>
    %get3A_1248 = arith.constant 0 : index
    %get3A_1249 = arith.constant 1 : index
    %get3A_1250 = arith.constant 16 : index
    %get3A_1251 = memref.load %arg1[%get3A_1248, %get3A_1249, %get3A_1250] : memref<1x5x24xf32, #tpu.memory_space<smem>>
    %get3A_1252 = arith.constant 0 : index
    %get3A_1253 = arith.constant 2 : index
    %get3A_1254 = arith.constant 16 : index
    %get3A_1255 = memref.load %arg1[%get3A_1252, %get3A_1253, %get3A_1254] : memref<1x5x24xf32, #tpu.memory_space<smem>>
    %get3A_1256 = arith.constant 0 : index
    %get3A_1257 = arith.constant 3 : index
    %get3A_1258 = arith.constant 16 : index
    %get3A_1259 = memref.load %arg1[%get3A_1256, %get3A_1257, %get3A_1258] : memref<1x5x24xf32, #tpu.memory_space<smem>>
    %get3A_1260 = arith.constant 0 : index
    %get3A_1261 = arith.constant 4 : index
    %get3A_1262 = arith.constant 16 : index
    %get3A_1263 = memref.load %arg1[%get3A_1260, %get3A_1261, %get3A_1262] : memref<1x5x24xf32, #tpu.memory_space<smem>>
    %convert_element_type3A_1264 = arith.fptosi %get3A_1263 : f32 to i32
    %sub3A_1265 = arith.subf %get3A_1255, %get3A_1247 : f32
    %sub3A_1266 = arith.subf %get3A_1259, %get3A_1251 : f32
    %mul3A_1267 = arith.mulf %sub3A_1265, %sub3A_1266 : f32
    %max3A_1268 = vector.broadcast %get3A_1247 : f32 to vector<192x128xf32>
    %max3A_1269 = arith.maximumf %max3A_1268, %sub3A : vector<192x128xf32>
    %max3A_1270 = vector.broadcast %get3A_1251 : f32 to vector<192x128xf32>
    %max3A_1271 = arith.maximumf %max3A_1270, %sub3A_29 : vector<192x128xf32>
    %min3A_1272 = vector.broadcast %get3A_1255 : f32 to vector<192x128xf32>
    %min3A_1273 = arith.minimumf %min3A_1272, %add3A_33 : vector<192x128xf32>
    %min3A_1274 = vector.broadcast %get3A_1259 : f32 to vector<192x128xf32>
    %min3A_1275 = arith.minimumf %min3A_1274, %add3A_37 : vector<192x128xf32>
    %sub3A_1276 = arith.subf %min3A_1273, %max3A_1269 : vector<192x128xf32>
    %max3A_1277 = arith.constant 0.000000e+00 : f32
    %max3A_1278 = vector.broadcast %max3A_1277 : f32 to vector<192x128xf32>
    %max3A_1279 = arith.maximumf %sub3A_1276, %max3A_1278 : vector<192x128xf32>
    %sub3A_1280 = arith.subf %min3A_1275, %max3A_1271 : vector<192x128xf32>
    %max3A_1281 = arith.constant 0.000000e+00 : f32
    %max3A_1282 = vector.broadcast %max3A_1281 : f32 to vector<192x128xf32>
    %max3A_1283 = arith.maximumf %sub3A_1280, %max3A_1282 : vector<192x128xf32>
    %mul3A_1284 = arith.mulf %max3A_1279, %max3A_1283 : vector<192x128xf32>
    %add3A_1285 = vector.broadcast %mul3A_1267 : f32 to vector<192x128xf32>
    %add3A_1286 = arith.addf %add3A_1285, %mul3A_40 : vector<192x128xf32>
    %sub3A_1287 = arith.subf %add3A_1286, %mul3A_1284 : vector<192x128xf32>
    %div3A_1288 = arith.divf %mul3A_1284, %sub3A_1287 : vector<192x128xf32>
    %gt3A_1289 = arith.cmpf ogt, %div3A_1288, %select_n3A_1215 : vector<192x128xf32>
    %select_n3A_1290 = arith.select %gt3A_1289, %div3A_1288, %select_n3A_1215 : vector<192x128xi1>, vector<192x128xf32>
    %broadcast_in_dim3A_1291 = vector.broadcast %get3A_1247 : f32 to vector<192x128xf32>
    %select_n3A_1292 = arith.select %gt3A_1289, %broadcast_in_dim3A_1291, %select_n3A_1217 : vector<192x128xi1>, vector<192x128xf32>
    %broadcast_in_dim3A_1293 = vector.broadcast %get3A_1251 : f32 to vector<192x128xf32>
    %select_n3A_1294 = arith.select %gt3A_1289, %broadcast_in_dim3A_1293, %select_n3A_1219 : vector<192x128xi1>, vector<192x128xf32>
    %broadcast_in_dim3A_1295 = vector.broadcast %get3A_1255 : f32 to vector<192x128xf32>
    %select_n3A_1296 = arith.select %gt3A_1289, %broadcast_in_dim3A_1295, %select_n3A_1221 : vector<192x128xi1>, vector<192x128xf32>
    %broadcast_in_dim3A_1297 = vector.broadcast %get3A_1259 : f32 to vector<192x128xf32>
    %select_n3A_1298 = arith.select %gt3A_1289, %broadcast_in_dim3A_1297, %select_n3A_1223 : vector<192x128xi1>, vector<192x128xf32>
    %broadcast_in_dim3A_1299 = vector.broadcast %convert_element_type3A_1264 : i32 to vector<192x128xi32>
    %select_n3A_1300 = arith.select %gt3A_1289, %broadcast_in_dim3A_1299, %select_n3A_1225 : vector<192x128xi1>, vector<192x128xi32>
    %reduce_max3A_1301 = vector.shape_cast %div3A_1288 : vector<192x128xf32> to vector<1x192x128xf32>
    %reduce_max3A_1302 = arith.constant dense<0xFF800000> : vector<1xf32>
    %reduce_max3A_1303 = vector.multi_reduction <maximumf>, %reduce_max3A_1301, %reduce_max3A_1302 [1, 2] : vector<1x192x128xf32> to vector<1xf32>
    %reduce_max3A_1304 = vector.shape_cast %reduce_max3A_1303 : vector<1xf32> to vector<1x1x1xf32>
    %reduce_max3A_1305 = vector.extract %reduce_max3A_1304[0, 0, 0] : f32 from vector<1x1x1xf32>
    %eq3A_1306 = vector.broadcast %reduce_max3A_1305 : f32 to vector<192x128xf32>
    %eq3A_1307 = arith.cmpf oeq, %div3A_1288, %eq3A_1306 : vector<192x128xf32>
    %jit3A_1308 = arith.constant 1073741824 : i32
    %broadcast_in_dim3A_1309 = vector.broadcast %jit3A_1308 : i32 to vector<192x128xi32>
    %select_n3A_1310 = arith.select %eq3A_1307, %add3A, %broadcast_in_dim3A_1309 : vector<192x128xi1>, vector<192x128xi32>
    %reduce_min3A_1311 = vector.shape_cast %select_n3A_1310 : vector<192x128xi32> to vector<1x192x128xi32>
    %reduce_min3A_1312 = arith.constant dense<2147483647> : vector<1xi32>
    %reduce_min3A_1313 = vector.multi_reduction <minsi>, %reduce_min3A_1311, %reduce_min3A_1312 [1, 2] : vector<1x192x128xi32> to vector<1xi32>
    %reduce_min3A_1314 = vector.shape_cast %reduce_min3A_1313 : vector<1xi32> to vector<1x1x1xi32>
    %reduce_min3A_1315 = vector.extract %reduce_min3A_1314[0, 0, 0] : i32 from vector<1x1x1xi32>
    %eq3A_1316 = vector.broadcast %reduce_min3A_1315 : i32 to vector<192x128xi32>
    %eq3A_1317 = arith.cmpi eq, %add3A, %eq3A_1316 : vector<192x128xi32>
    %or3A_1318 = arith.ori %or3A_1243, %eq3A_1317 : vector<192x128xi1>
    %get3A_1319 = arith.constant 0 : index
    %get3A_1320 = arith.constant 0 : index
    %get3A_1321 = arith.constant 17 : index
    %get3A_1322 = memref.load %arg1[%get3A_1319, %get3A_1320, %get3A_1321] : memref<1x5x24xf32, #tpu.memory_space<smem>>
    %get3A_1323 = arith.constant 0 : index
    %get3A_1324 = arith.constant 1 : index
    %get3A_1325 = arith.constant 17 : index
    %get3A_1326 = memref.load %arg1[%get3A_1323, %get3A_1324, %get3A_1325] : memref<1x5x24xf32, #tpu.memory_space<smem>>
    %get3A_1327 = arith.constant 0 : index
    %get3A_1328 = arith.constant 2 : index
    %get3A_1329 = arith.constant 17 : index
    %get3A_1330 = memref.load %arg1[%get3A_1327, %get3A_1328, %get3A_1329] : memref<1x5x24xf32, #tpu.memory_space<smem>>
    %get3A_1331 = arith.constant 0 : index
    %get3A_1332 = arith.constant 3 : index
    %get3A_1333 = arith.constant 17 : index
    %get3A_1334 = memref.load %arg1[%get3A_1331, %get3A_1332, %get3A_1333] : memref<1x5x24xf32, #tpu.memory_space<smem>>
    %get3A_1335 = arith.constant 0 : index
    %get3A_1336 = arith.constant 4 : index
    %get3A_1337 = arith.constant 17 : index
    %get3A_1338 = memref.load %arg1[%get3A_1335, %get3A_1336, %get3A_1337] : memref<1x5x24xf32, #tpu.memory_space<smem>>
    %convert_element_type3A_1339 = arith.fptosi %get3A_1338 : f32 to i32
    %sub3A_1340 = arith.subf %get3A_1330, %get3A_1322 : f32
    %sub3A_1341 = arith.subf %get3A_1334, %get3A_1326 : f32
    %mul3A_1342 = arith.mulf %sub3A_1340, %sub3A_1341 : f32
    %max3A_1343 = vector.broadcast %get3A_1322 : f32 to vector<192x128xf32>
    %max3A_1344 = arith.maximumf %max3A_1343, %sub3A : vector<192x128xf32>
    %max3A_1345 = vector.broadcast %get3A_1326 : f32 to vector<192x128xf32>
    %max3A_1346 = arith.maximumf %max3A_1345, %sub3A_29 : vector<192x128xf32>
    %min3A_1347 = vector.broadcast %get3A_1330 : f32 to vector<192x128xf32>
    %min3A_1348 = arith.minimumf %min3A_1347, %add3A_33 : vector<192x128xf32>
    %min3A_1349 = vector.broadcast %get3A_1334 : f32 to vector<192x128xf32>
    %min3A_1350 = arith.minimumf %min3A_1349, %add3A_37 : vector<192x128xf32>
    %sub3A_1351 = arith.subf %min3A_1348, %max3A_1344 : vector<192x128xf32>
    %max3A_1352 = arith.constant 0.000000e+00 : f32
    %max3A_1353 = vector.broadcast %max3A_1352 : f32 to vector<192x128xf32>
    %max3A_1354 = arith.maximumf %sub3A_1351, %max3A_1353 : vector<192x128xf32>
    %sub3A_1355 = arith.subf %min3A_1350, %max3A_1346 : vector<192x128xf32>
    %max3A_1356 = arith.constant 0.000000e+00 : f32
    %max3A_1357 = vector.broadcast %max3A_1356 : f32 to vector<192x128xf32>
    %max3A_1358 = arith.maximumf %sub3A_1355, %max3A_1357 : vector<192x128xf32>
    %mul3A_1359 = arith.mulf %max3A_1354, %max3A_1358 : vector<192x128xf32>
    %add3A_1360 = vector.broadcast %mul3A_1342 : f32 to vector<192x128xf32>
    %add3A_1361 = arith.addf %add3A_1360, %mul3A_40 : vector<192x128xf32>
    %sub3A_1362 = arith.subf %add3A_1361, %mul3A_1359 : vector<192x128xf32>
    %div3A_1363 = arith.divf %mul3A_1359, %sub3A_1362 : vector<192x128xf32>
    %gt3A_1364 = arith.cmpf ogt, %div3A_1363, %select_n3A_1290 : vector<192x128xf32>
    %select_n3A_1365 = arith.select %gt3A_1364, %div3A_1363, %select_n3A_1290 : vector<192x128xi1>, vector<192x128xf32>
    %broadcast_in_dim3A_1366 = vector.broadcast %get3A_1322 : f32 to vector<192x128xf32>
    %select_n3A_1367 = arith.select %gt3A_1364, %broadcast_in_dim3A_1366, %select_n3A_1292 : vector<192x128xi1>, vector<192x128xf32>
    %broadcast_in_dim3A_1368 = vector.broadcast %get3A_1326 : f32 to vector<192x128xf32>
    %select_n3A_1369 = arith.select %gt3A_1364, %broadcast_in_dim3A_1368, %select_n3A_1294 : vector<192x128xi1>, vector<192x128xf32>
    %broadcast_in_dim3A_1370 = vector.broadcast %get3A_1330 : f32 to vector<192x128xf32>
    %select_n3A_1371 = arith.select %gt3A_1364, %broadcast_in_dim3A_1370, %select_n3A_1296 : vector<192x128xi1>, vector<192x128xf32>
    %broadcast_in_dim3A_1372 = vector.broadcast %get3A_1334 : f32 to vector<192x128xf32>
    %select_n3A_1373 = arith.select %gt3A_1364, %broadcast_in_dim3A_1372, %select_n3A_1298 : vector<192x128xi1>, vector<192x128xf32>
    %broadcast_in_dim3A_1374 = vector.broadcast %convert_element_type3A_1339 : i32 to vector<192x128xi32>
    %select_n3A_1375 = arith.select %gt3A_1364, %broadcast_in_dim3A_1374, %select_n3A_1300 : vector<192x128xi1>, vector<192x128xi32>
    %reduce_max3A_1376 = vector.shape_cast %div3A_1363 : vector<192x128xf32> to vector<1x192x128xf32>
    %reduce_max3A_1377 = arith.constant dense<0xFF800000> : vector<1xf32>
    %reduce_max3A_1378 = vector.multi_reduction <maximumf>, %reduce_max3A_1376, %reduce_max3A_1377 [1, 2] : vector<1x192x128xf32> to vector<1xf32>
    %reduce_max3A_1379 = vector.shape_cast %reduce_max3A_1378 : vector<1xf32> to vector<1x1x1xf32>
    %reduce_max3A_1380 = vector.extract %reduce_max3A_1379[0, 0, 0] : f32 from vector<1x1x1xf32>
    %eq3A_1381 = vector.broadcast %reduce_max3A_1380 : f32 to vector<192x128xf32>
    %eq3A_1382 = arith.cmpf oeq, %div3A_1363, %eq3A_1381 : vector<192x128xf32>
    %jit3A_1383 = arith.constant 1073741824 : i32
    %broadcast_in_dim3A_1384 = vector.broadcast %jit3A_1383 : i32 to vector<192x128xi32>
    %select_n3A_1385 = arith.select %eq3A_1382, %add3A, %broadcast_in_dim3A_1384 : vector<192x128xi1>, vector<192x128xi32>
    %reduce_min3A_1386 = vector.shape_cast %select_n3A_1385 : vector<192x128xi32> to vector<1x192x128xi32>
    %reduce_min3A_1387 = arith.constant dense<2147483647> : vector<1xi32>
    %reduce_min3A_1388 = vector.multi_reduction <minsi>, %reduce_min3A_1386, %reduce_min3A_1387 [1, 2] : vector<1x192x128xi32> to vector<1xi32>
    %reduce_min3A_1389 = vector.shape_cast %reduce_min3A_1388 : vector<1xi32> to vector<1x1x1xi32>
    %reduce_min3A_1390 = vector.extract %reduce_min3A_1389[0, 0, 0] : i32 from vector<1x1x1xi32>
    %eq3A_1391 = vector.broadcast %reduce_min3A_1390 : i32 to vector<192x128xi32>
    %eq3A_1392 = arith.cmpi eq, %add3A, %eq3A_1391 : vector<192x128xi32>
    %or3A_1393 = arith.ori %or3A_1318, %eq3A_1392 : vector<192x128xi1>
    %get3A_1394 = arith.constant 0 : index
    %get3A_1395 = arith.constant 0 : index
    %get3A_1396 = arith.constant 18 : index
    %get3A_1397 = memref.load %arg1[%get3A_1394, %get3A_1395, %get3A_1396] : memref<1x5x24xf32, #tpu.memory_space<smem>>
    %get3A_1398 = arith.constant 0 : index
    %get3A_1399 = arith.constant 1 : index
    %get3A_1400 = arith.constant 18 : index
    %get3A_1401 = memref.load %arg1[%get3A_1398, %get3A_1399, %get3A_1400] : memref<1x5x24xf32, #tpu.memory_space<smem>>
    %get3A_1402 = arith.constant 0 : index
    %get3A_1403 = arith.constant 2 : index
    %get3A_1404 = arith.constant 18 : index
    %get3A_1405 = memref.load %arg1[%get3A_1402, %get3A_1403, %get3A_1404] : memref<1x5x24xf32, #tpu.memory_space<smem>>
    %get3A_1406 = arith.constant 0 : index
    %get3A_1407 = arith.constant 3 : index
    %get3A_1408 = arith.constant 18 : index
    %get3A_1409 = memref.load %arg1[%get3A_1406, %get3A_1407, %get3A_1408] : memref<1x5x24xf32, #tpu.memory_space<smem>>
    %get3A_1410 = arith.constant 0 : index
    %get3A_1411 = arith.constant 4 : index
    %get3A_1412 = arith.constant 18 : index
    %get3A_1413 = memref.load %arg1[%get3A_1410, %get3A_1411, %get3A_1412] : memref<1x5x24xf32, #tpu.memory_space<smem>>
    %convert_element_type3A_1414 = arith.fptosi %get3A_1413 : f32 to i32
    %sub3A_1415 = arith.subf %get3A_1405, %get3A_1397 : f32
    %sub3A_1416 = arith.subf %get3A_1409, %get3A_1401 : f32
    %mul3A_1417 = arith.mulf %sub3A_1415, %sub3A_1416 : f32
    %max3A_1418 = vector.broadcast %get3A_1397 : f32 to vector<192x128xf32>
    %max3A_1419 = arith.maximumf %max3A_1418, %sub3A : vector<192x128xf32>
    %max3A_1420 = vector.broadcast %get3A_1401 : f32 to vector<192x128xf32>
    %max3A_1421 = arith.maximumf %max3A_1420, %sub3A_29 : vector<192x128xf32>
    %min3A_1422 = vector.broadcast %get3A_1405 : f32 to vector<192x128xf32>
    %min3A_1423 = arith.minimumf %min3A_1422, %add3A_33 : vector<192x128xf32>
    %min3A_1424 = vector.broadcast %get3A_1409 : f32 to vector<192x128xf32>
    %min3A_1425 = arith.minimumf %min3A_1424, %add3A_37 : vector<192x128xf32>
    %sub3A_1426 = arith.subf %min3A_1423, %max3A_1419 : vector<192x128xf32>
    %max3A_1427 = arith.constant 0.000000e+00 : f32
    %max3A_1428 = vector.broadcast %max3A_1427 : f32 to vector<192x128xf32>
    %max3A_1429 = arith.maximumf %sub3A_1426, %max3A_1428 : vector<192x128xf32>
    %sub3A_1430 = arith.subf %min3A_1425, %max3A_1421 : vector<192x128xf32>
    %max3A_1431 = arith.constant 0.000000e+00 : f32
    %max3A_1432 = vector.broadcast %max3A_1431 : f32 to vector<192x128xf32>
    %max3A_1433 = arith.maximumf %sub3A_1430, %max3A_1432 : vector<192x128xf32>
    %mul3A_1434 = arith.mulf %max3A_1429, %max3A_1433 : vector<192x128xf32>
    %add3A_1435 = vector.broadcast %mul3A_1417 : f32 to vector<192x128xf32>
    %add3A_1436 = arith.addf %add3A_1435, %mul3A_40 : vector<192x128xf32>
    %sub3A_1437 = arith.subf %add3A_1436, %mul3A_1434 : vector<192x128xf32>
    %div3A_1438 = arith.divf %mul3A_1434, %sub3A_1437 : vector<192x128xf32>
    %gt3A_1439 = arith.cmpf ogt, %div3A_1438, %select_n3A_1365 : vector<192x128xf32>
    %select_n3A_1440 = arith.select %gt3A_1439, %div3A_1438, %select_n3A_1365 : vector<192x128xi1>, vector<192x128xf32>
    %broadcast_in_dim3A_1441 = vector.broadcast %get3A_1397 : f32 to vector<192x128xf32>
    %select_n3A_1442 = arith.select %gt3A_1439, %broadcast_in_dim3A_1441, %select_n3A_1367 : vector<192x128xi1>, vector<192x128xf32>
    %broadcast_in_dim3A_1443 = vector.broadcast %get3A_1401 : f32 to vector<192x128xf32>
    %select_n3A_1444 = arith.select %gt3A_1439, %broadcast_in_dim3A_1443, %select_n3A_1369 : vector<192x128xi1>, vector<192x128xf32>
    %broadcast_in_dim3A_1445 = vector.broadcast %get3A_1405 : f32 to vector<192x128xf32>
    %select_n3A_1446 = arith.select %gt3A_1439, %broadcast_in_dim3A_1445, %select_n3A_1371 : vector<192x128xi1>, vector<192x128xf32>
    %broadcast_in_dim3A_1447 = vector.broadcast %get3A_1409 : f32 to vector<192x128xf32>
    %select_n3A_1448 = arith.select %gt3A_1439, %broadcast_in_dim3A_1447, %select_n3A_1373 : vector<192x128xi1>, vector<192x128xf32>
    %broadcast_in_dim3A_1449 = vector.broadcast %convert_element_type3A_1414 : i32 to vector<192x128xi32>
    %select_n3A_1450 = arith.select %gt3A_1439, %broadcast_in_dim3A_1449, %select_n3A_1375 : vector<192x128xi1>, vector<192x128xi32>
    %reduce_max3A_1451 = vector.shape_cast %div3A_1438 : vector<192x128xf32> to vector<1x192x128xf32>
    %reduce_max3A_1452 = arith.constant dense<0xFF800000> : vector<1xf32>
    %reduce_max3A_1453 = vector.multi_reduction <maximumf>, %reduce_max3A_1451, %reduce_max3A_1452 [1, 2] : vector<1x192x128xf32> to vector<1xf32>
    %reduce_max3A_1454 = vector.shape_cast %reduce_max3A_1453 : vector<1xf32> to vector<1x1x1xf32>
    %reduce_max3A_1455 = vector.extract %reduce_max3A_1454[0, 0, 0] : f32 from vector<1x1x1xf32>
    %eq3A_1456 = vector.broadcast %reduce_max3A_1455 : f32 to vector<192x128xf32>
    %eq3A_1457 = arith.cmpf oeq, %div3A_1438, %eq3A_1456 : vector<192x128xf32>
    %jit3A_1458 = arith.constant 1073741824 : i32
    %broadcast_in_dim3A_1459 = vector.broadcast %jit3A_1458 : i32 to vector<192x128xi32>
    %select_n3A_1460 = arith.select %eq3A_1457, %add3A, %broadcast_in_dim3A_1459 : vector<192x128xi1>, vector<192x128xi32>
    %reduce_min3A_1461 = vector.shape_cast %select_n3A_1460 : vector<192x128xi32> to vector<1x192x128xi32>
    %reduce_min3A_1462 = arith.constant dense<2147483647> : vector<1xi32>
    %reduce_min3A_1463 = vector.multi_reduction <minsi>, %reduce_min3A_1461, %reduce_min3A_1462 [1, 2] : vector<1x192x128xi32> to vector<1xi32>
    %reduce_min3A_1464 = vector.shape_cast %reduce_min3A_1463 : vector<1xi32> to vector<1x1x1xi32>
    %reduce_min3A_1465 = vector.extract %reduce_min3A_1464[0, 0, 0] : i32 from vector<1x1x1xi32>
    %eq3A_1466 = vector.broadcast %reduce_min3A_1465 : i32 to vector<192x128xi32>
    %eq3A_1467 = arith.cmpi eq, %add3A, %eq3A_1466 : vector<192x128xi32>
    %or3A_1468 = arith.ori %or3A_1393, %eq3A_1467 : vector<192x128xi1>
    %get3A_1469 = arith.constant 0 : index
    %get3A_1470 = arith.constant 0 : index
    %get3A_1471 = arith.constant 19 : index
    %get3A_1472 = memref.load %arg1[%get3A_1469, %get3A_1470, %get3A_1471] : memref<1x5x24xf32, #tpu.memory_space<smem>>
    %get3A_1473 = arith.constant 0 : index
    %get3A_1474 = arith.constant 1 : index
    %get3A_1475 = arith.constant 19 : index
    %get3A_1476 = memref.load %arg1[%get3A_1473, %get3A_1474, %get3A_1475] : memref<1x5x24xf32, #tpu.memory_space<smem>>
    %get3A_1477 = arith.constant 0 : index
    %get3A_1478 = arith.constant 2 : index
    %get3A_1479 = arith.constant 19 : index
    %get3A_1480 = memref.load %arg1[%get3A_1477, %get3A_1478, %get3A_1479] : memref<1x5x24xf32, #tpu.memory_space<smem>>
    %get3A_1481 = arith.constant 0 : index
    %get3A_1482 = arith.constant 3 : index
    %get3A_1483 = arith.constant 19 : index
    %get3A_1484 = memref.load %arg1[%get3A_1481, %get3A_1482, %get3A_1483] : memref<1x5x24xf32, #tpu.memory_space<smem>>
    %get3A_1485 = arith.constant 0 : index
    %get3A_1486 = arith.constant 4 : index
    %get3A_1487 = arith.constant 19 : index
    %get3A_1488 = memref.load %arg1[%get3A_1485, %get3A_1486, %get3A_1487] : memref<1x5x24xf32, #tpu.memory_space<smem>>
    %convert_element_type3A_1489 = arith.fptosi %get3A_1488 : f32 to i32
    %sub3A_1490 = arith.subf %get3A_1480, %get3A_1472 : f32
    %sub3A_1491 = arith.subf %get3A_1484, %get3A_1476 : f32
    %mul3A_1492 = arith.mulf %sub3A_1490, %sub3A_1491 : f32
    %max3A_1493 = vector.broadcast %get3A_1472 : f32 to vector<192x128xf32>
    %max3A_1494 = arith.maximumf %max3A_1493, %sub3A : vector<192x128xf32>
    %max3A_1495 = vector.broadcast %get3A_1476 : f32 to vector<192x128xf32>
    %max3A_1496 = arith.maximumf %max3A_1495, %sub3A_29 : vector<192x128xf32>
    %min3A_1497 = vector.broadcast %get3A_1480 : f32 to vector<192x128xf32>
    %min3A_1498 = arith.minimumf %min3A_1497, %add3A_33 : vector<192x128xf32>
    %min3A_1499 = vector.broadcast %get3A_1484 : f32 to vector<192x128xf32>
    %min3A_1500 = arith.minimumf %min3A_1499, %add3A_37 : vector<192x128xf32>
    %sub3A_1501 = arith.subf %min3A_1498, %max3A_1494 : vector<192x128xf32>
    %max3A_1502 = arith.constant 0.000000e+00 : f32
    %max3A_1503 = vector.broadcast %max3A_1502 : f32 to vector<192x128xf32>
    %max3A_1504 = arith.maximumf %sub3A_1501, %max3A_1503 : vector<192x128xf32>
    %sub3A_1505 = arith.subf %min3A_1500, %max3A_1496 : vector<192x128xf32>
    %max3A_1506 = arith.constant 0.000000e+00 : f32
    %max3A_1507 = vector.broadcast %max3A_1506 : f32 to vector<192x128xf32>
    %max3A_1508 = arith.maximumf %sub3A_1505, %max3A_1507 : vector<192x128xf32>
    %mul3A_1509 = arith.mulf %max3A_1504, %max3A_1508 : vector<192x128xf32>
    %add3A_1510 = vector.broadcast %mul3A_1492 : f32 to vector<192x128xf32>
    %add3A_1511 = arith.addf %add3A_1510, %mul3A_40 : vector<192x128xf32>
    %sub3A_1512 = arith.subf %add3A_1511, %mul3A_1509 : vector<192x128xf32>
    %div3A_1513 = arith.divf %mul3A_1509, %sub3A_1512 : vector<192x128xf32>
    %gt3A_1514 = arith.cmpf ogt, %div3A_1513, %select_n3A_1440 : vector<192x128xf32>
    %select_n3A_1515 = arith.select %gt3A_1514, %div3A_1513, %select_n3A_1440 : vector<192x128xi1>, vector<192x128xf32>
    %broadcast_in_dim3A_1516 = vector.broadcast %get3A_1472 : f32 to vector<192x128xf32>
    %select_n3A_1517 = arith.select %gt3A_1514, %broadcast_in_dim3A_1516, %select_n3A_1442 : vector<192x128xi1>, vector<192x128xf32>
    %broadcast_in_dim3A_1518 = vector.broadcast %get3A_1476 : f32 to vector<192x128xf32>
    %select_n3A_1519 = arith.select %gt3A_1514, %broadcast_in_dim3A_1518, %select_n3A_1444 : vector<192x128xi1>, vector<192x128xf32>
    %broadcast_in_dim3A_1520 = vector.broadcast %get3A_1480 : f32 to vector<192x128xf32>
    %select_n3A_1521 = arith.select %gt3A_1514, %broadcast_in_dim3A_1520, %select_n3A_1446 : vector<192x128xi1>, vector<192x128xf32>
    %broadcast_in_dim3A_1522 = vector.broadcast %get3A_1484 : f32 to vector<192x128xf32>
    %select_n3A_1523 = arith.select %gt3A_1514, %broadcast_in_dim3A_1522, %select_n3A_1448 : vector<192x128xi1>, vector<192x128xf32>
    %broadcast_in_dim3A_1524 = vector.broadcast %convert_element_type3A_1489 : i32 to vector<192x128xi32>
    %select_n3A_1525 = arith.select %gt3A_1514, %broadcast_in_dim3A_1524, %select_n3A_1450 : vector<192x128xi1>, vector<192x128xi32>
    %reduce_max3A_1526 = vector.shape_cast %div3A_1513 : vector<192x128xf32> to vector<1x192x128xf32>
    %reduce_max3A_1527 = arith.constant dense<0xFF800000> : vector<1xf32>
    %reduce_max3A_1528 = vector.multi_reduction <maximumf>, %reduce_max3A_1526, %reduce_max3A_1527 [1, 2] : vector<1x192x128xf32> to vector<1xf32>
    %reduce_max3A_1529 = vector.shape_cast %reduce_max3A_1528 : vector<1xf32> to vector<1x1x1xf32>
    %reduce_max3A_1530 = vector.extract %reduce_max3A_1529[0, 0, 0] : f32 from vector<1x1x1xf32>
    %eq3A_1531 = vector.broadcast %reduce_max3A_1530 : f32 to vector<192x128xf32>
    %eq3A_1532 = arith.cmpf oeq, %div3A_1513, %eq3A_1531 : vector<192x128xf32>
    %jit3A_1533 = arith.constant 1073741824 : i32
    %broadcast_in_dim3A_1534 = vector.broadcast %jit3A_1533 : i32 to vector<192x128xi32>
    %select_n3A_1535 = arith.select %eq3A_1532, %add3A, %broadcast_in_dim3A_1534 : vector<192x128xi1>, vector<192x128xi32>
    %reduce_min3A_1536 = vector.shape_cast %select_n3A_1535 : vector<192x128xi32> to vector<1x192x128xi32>
    %reduce_min3A_1537 = arith.constant dense<2147483647> : vector<1xi32>
    %reduce_min3A_1538 = vector.multi_reduction <minsi>, %reduce_min3A_1536, %reduce_min3A_1537 [1, 2] : vector<1x192x128xi32> to vector<1xi32>
    %reduce_min3A_1539 = vector.shape_cast %reduce_min3A_1538 : vector<1xi32> to vector<1x1x1xi32>
    %reduce_min3A_1540 = vector.extract %reduce_min3A_1539[0, 0, 0] : i32 from vector<1x1x1xi32>
    %eq3A_1541 = vector.broadcast %reduce_min3A_1540 : i32 to vector<192x128xi32>
    %eq3A_1542 = arith.cmpi eq, %add3A, %eq3A_1541 : vector<192x128xi32>
    %or3A_1543 = arith.ori %or3A_1468, %eq3A_1542 : vector<192x128xi1>
    %get3A_1544 = arith.constant 0 : index
    %get3A_1545 = arith.constant 0 : index
    %get3A_1546 = arith.constant 20 : index
    %get3A_1547 = memref.load %arg1[%get3A_1544, %get3A_1545, %get3A_1546] : memref<1x5x24xf32, #tpu.memory_space<smem>>
    %get3A_1548 = arith.constant 0 : index
    %get3A_1549 = arith.constant 1 : index
    %get3A_1550 = arith.constant 20 : index
    %get3A_1551 = memref.load %arg1[%get3A_1548, %get3A_1549, %get3A_1550] : memref<1x5x24xf32, #tpu.memory_space<smem>>
    %get3A_1552 = arith.constant 0 : index
    %get3A_1553 = arith.constant 2 : index
    %get3A_1554 = arith.constant 20 : index
    %get3A_1555 = memref.load %arg1[%get3A_1552, %get3A_1553, %get3A_1554] : memref<1x5x24xf32, #tpu.memory_space<smem>>
    %get3A_1556 = arith.constant 0 : index
    %get3A_1557 = arith.constant 3 : index
    %get3A_1558 = arith.constant 20 : index
    %get3A_1559 = memref.load %arg1[%get3A_1556, %get3A_1557, %get3A_1558] : memref<1x5x24xf32, #tpu.memory_space<smem>>
    %get3A_1560 = arith.constant 0 : index
    %get3A_1561 = arith.constant 4 : index
    %get3A_1562 = arith.constant 20 : index
    %get3A_1563 = memref.load %arg1[%get3A_1560, %get3A_1561, %get3A_1562] : memref<1x5x24xf32, #tpu.memory_space<smem>>
    %convert_element_type3A_1564 = arith.fptosi %get3A_1563 : f32 to i32
    %sub3A_1565 = arith.subf %get3A_1555, %get3A_1547 : f32
    %sub3A_1566 = arith.subf %get3A_1559, %get3A_1551 : f32
    %mul3A_1567 = arith.mulf %sub3A_1565, %sub3A_1566 : f32
    %max3A_1568 = vector.broadcast %get3A_1547 : f32 to vector<192x128xf32>
    %max3A_1569 = arith.maximumf %max3A_1568, %sub3A : vector<192x128xf32>
    %max3A_1570 = vector.broadcast %get3A_1551 : f32 to vector<192x128xf32>
    %max3A_1571 = arith.maximumf %max3A_1570, %sub3A_29 : vector<192x128xf32>
    %min3A_1572 = vector.broadcast %get3A_1555 : f32 to vector<192x128xf32>
    %min3A_1573 = arith.minimumf %min3A_1572, %add3A_33 : vector<192x128xf32>
    %min3A_1574 = vector.broadcast %get3A_1559 : f32 to vector<192x128xf32>
    %min3A_1575 = arith.minimumf %min3A_1574, %add3A_37 : vector<192x128xf32>
    %sub3A_1576 = arith.subf %min3A_1573, %max3A_1569 : vector<192x128xf32>
    %max3A_1577 = arith.constant 0.000000e+00 : f32
    %max3A_1578 = vector.broadcast %max3A_1577 : f32 to vector<192x128xf32>
    %max3A_1579 = arith.maximumf %sub3A_1576, %max3A_1578 : vector<192x128xf32>
    %sub3A_1580 = arith.subf %min3A_1575, %max3A_1571 : vector<192x128xf32>
    %max3A_1581 = arith.constant 0.000000e+00 : f32
    %max3A_1582 = vector.broadcast %max3A_1581 : f32 to vector<192x128xf32>
    %max3A_1583 = arith.maximumf %sub3A_1580, %max3A_1582 : vector<192x128xf32>
    %mul3A_1584 = arith.mulf %max3A_1579, %max3A_1583 : vector<192x128xf32>
    %add3A_1585 = vector.broadcast %mul3A_1567 : f32 to vector<192x128xf32>
    %add3A_1586 = arith.addf %add3A_1585, %mul3A_40 : vector<192x128xf32>
    %sub3A_1587 = arith.subf %add3A_1586, %mul3A_1584 : vector<192x128xf32>
    %div3A_1588 = arith.divf %mul3A_1584, %sub3A_1587 : vector<192x128xf32>
    %gt3A_1589 = arith.cmpf ogt, %div3A_1588, %select_n3A_1515 : vector<192x128xf32>
    %select_n3A_1590 = arith.select %gt3A_1589, %div3A_1588, %select_n3A_1515 : vector<192x128xi1>, vector<192x128xf32>
    %broadcast_in_dim3A_1591 = vector.broadcast %get3A_1547 : f32 to vector<192x128xf32>
    %select_n3A_1592 = arith.select %gt3A_1589, %broadcast_in_dim3A_1591, %select_n3A_1517 : vector<192x128xi1>, vector<192x128xf32>
    %broadcast_in_dim3A_1593 = vector.broadcast %get3A_1551 : f32 to vector<192x128xf32>
    %select_n3A_1594 = arith.select %gt3A_1589, %broadcast_in_dim3A_1593, %select_n3A_1519 : vector<192x128xi1>, vector<192x128xf32>
    %broadcast_in_dim3A_1595 = vector.broadcast %get3A_1555 : f32 to vector<192x128xf32>
    %select_n3A_1596 = arith.select %gt3A_1589, %broadcast_in_dim3A_1595, %select_n3A_1521 : vector<192x128xi1>, vector<192x128xf32>
    %broadcast_in_dim3A_1597 = vector.broadcast %get3A_1559 : f32 to vector<192x128xf32>
    %select_n3A_1598 = arith.select %gt3A_1589, %broadcast_in_dim3A_1597, %select_n3A_1523 : vector<192x128xi1>, vector<192x128xf32>
    %broadcast_in_dim3A_1599 = vector.broadcast %convert_element_type3A_1564 : i32 to vector<192x128xi32>
    %select_n3A_1600 = arith.select %gt3A_1589, %broadcast_in_dim3A_1599, %select_n3A_1525 : vector<192x128xi1>, vector<192x128xi32>
    %reduce_max3A_1601 = vector.shape_cast %div3A_1588 : vector<192x128xf32> to vector<1x192x128xf32>
    %reduce_max3A_1602 = arith.constant dense<0xFF800000> : vector<1xf32>
    %reduce_max3A_1603 = vector.multi_reduction <maximumf>, %reduce_max3A_1601, %reduce_max3A_1602 [1, 2] : vector<1x192x128xf32> to vector<1xf32>
    %reduce_max3A_1604 = vector.shape_cast %reduce_max3A_1603 : vector<1xf32> to vector<1x1x1xf32>
    %reduce_max3A_1605 = vector.extract %reduce_max3A_1604[0, 0, 0] : f32 from vector<1x1x1xf32>
    %eq3A_1606 = vector.broadcast %reduce_max3A_1605 : f32 to vector<192x128xf32>
    %eq3A_1607 = arith.cmpf oeq, %div3A_1588, %eq3A_1606 : vector<192x128xf32>
    %jit3A_1608 = arith.constant 1073741824 : i32
    %broadcast_in_dim3A_1609 = vector.broadcast %jit3A_1608 : i32 to vector<192x128xi32>
    %select_n3A_1610 = arith.select %eq3A_1607, %add3A, %broadcast_in_dim3A_1609 : vector<192x128xi1>, vector<192x128xi32>
    %reduce_min3A_1611 = vector.shape_cast %select_n3A_1610 : vector<192x128xi32> to vector<1x192x128xi32>
    %reduce_min3A_1612 = arith.constant dense<2147483647> : vector<1xi32>
    %reduce_min3A_1613 = vector.multi_reduction <minsi>, %reduce_min3A_1611, %reduce_min3A_1612 [1, 2] : vector<1x192x128xi32> to vector<1xi32>
    %reduce_min3A_1614 = vector.shape_cast %reduce_min3A_1613 : vector<1xi32> to vector<1x1x1xi32>
    %reduce_min3A_1615 = vector.extract %reduce_min3A_1614[0, 0, 0] : i32 from vector<1x1x1xi32>
    %eq3A_1616 = vector.broadcast %reduce_min3A_1615 : i32 to vector<192x128xi32>
    %eq3A_1617 = arith.cmpi eq, %add3A, %eq3A_1616 : vector<192x128xi32>
    %or3A_1618 = arith.ori %or3A_1543, %eq3A_1617 : vector<192x128xi1>
    %get3A_1619 = arith.constant 0 : index
    %get3A_1620 = arith.constant 0 : index
    %get3A_1621 = arith.constant 21 : index
    %get3A_1622 = memref.load %arg1[%get3A_1619, %get3A_1620, %get3A_1621] : memref<1x5x24xf32, #tpu.memory_space<smem>>
    %get3A_1623 = arith.constant 0 : index
    %get3A_1624 = arith.constant 1 : index
    %get3A_1625 = arith.constant 21 : index
    %get3A_1626 = memref.load %arg1[%get3A_1623, %get3A_1624, %get3A_1625] : memref<1x5x24xf32, #tpu.memory_space<smem>>
    %get3A_1627 = arith.constant 0 : index
    %get3A_1628 = arith.constant 2 : index
    %get3A_1629 = arith.constant 21 : index
    %get3A_1630 = memref.load %arg1[%get3A_1627, %get3A_1628, %get3A_1629] : memref<1x5x24xf32, #tpu.memory_space<smem>>
    %get3A_1631 = arith.constant 0 : index
    %get3A_1632 = arith.constant 3 : index
    %get3A_1633 = arith.constant 21 : index
    %get3A_1634 = memref.load %arg1[%get3A_1631, %get3A_1632, %get3A_1633] : memref<1x5x24xf32, #tpu.memory_space<smem>>
    %get3A_1635 = arith.constant 0 : index
    %get3A_1636 = arith.constant 4 : index
    %get3A_1637 = arith.constant 21 : index
    %get3A_1638 = memref.load %arg1[%get3A_1635, %get3A_1636, %get3A_1637] : memref<1x5x24xf32, #tpu.memory_space<smem>>
    %convert_element_type3A_1639 = arith.fptosi %get3A_1638 : f32 to i32
    %sub3A_1640 = arith.subf %get3A_1630, %get3A_1622 : f32
    %sub3A_1641 = arith.subf %get3A_1634, %get3A_1626 : f32
    %mul3A_1642 = arith.mulf %sub3A_1640, %sub3A_1641 : f32
    %max3A_1643 = vector.broadcast %get3A_1622 : f32 to vector<192x128xf32>
    %max3A_1644 = arith.maximumf %max3A_1643, %sub3A : vector<192x128xf32>
    %max3A_1645 = vector.broadcast %get3A_1626 : f32 to vector<192x128xf32>
    %max3A_1646 = arith.maximumf %max3A_1645, %sub3A_29 : vector<192x128xf32>
    %min3A_1647 = vector.broadcast %get3A_1630 : f32 to vector<192x128xf32>
    %min3A_1648 = arith.minimumf %min3A_1647, %add3A_33 : vector<192x128xf32>
    %min3A_1649 = vector.broadcast %get3A_1634 : f32 to vector<192x128xf32>
    %min3A_1650 = arith.minimumf %min3A_1649, %add3A_37 : vector<192x128xf32>
    %sub3A_1651 = arith.subf %min3A_1648, %max3A_1644 : vector<192x128xf32>
    %max3A_1652 = arith.constant 0.000000e+00 : f32
    %max3A_1653 = vector.broadcast %max3A_1652 : f32 to vector<192x128xf32>
    %max3A_1654 = arith.maximumf %sub3A_1651, %max3A_1653 : vector<192x128xf32>
    %sub3A_1655 = arith.subf %min3A_1650, %max3A_1646 : vector<192x128xf32>
    %max3A_1656 = arith.constant 0.000000e+00 : f32
    %max3A_1657 = vector.broadcast %max3A_1656 : f32 to vector<192x128xf32>
    %max3A_1658 = arith.maximumf %sub3A_1655, %max3A_1657 : vector<192x128xf32>
    %mul3A_1659 = arith.mulf %max3A_1654, %max3A_1658 : vector<192x128xf32>
    %add3A_1660 = vector.broadcast %mul3A_1642 : f32 to vector<192x128xf32>
    %add3A_1661 = arith.addf %add3A_1660, %mul3A_40 : vector<192x128xf32>
    %sub3A_1662 = arith.subf %add3A_1661, %mul3A_1659 : vector<192x128xf32>
    %div3A_1663 = arith.divf %mul3A_1659, %sub3A_1662 : vector<192x128xf32>
    %gt3A_1664 = arith.cmpf ogt, %div3A_1663, %select_n3A_1590 : vector<192x128xf32>
    %select_n3A_1665 = arith.select %gt3A_1664, %div3A_1663, %select_n3A_1590 : vector<192x128xi1>, vector<192x128xf32>
    %broadcast_in_dim3A_1666 = vector.broadcast %get3A_1622 : f32 to vector<192x128xf32>
    %select_n3A_1667 = arith.select %gt3A_1664, %broadcast_in_dim3A_1666, %select_n3A_1592 : vector<192x128xi1>, vector<192x128xf32>
    %broadcast_in_dim3A_1668 = vector.broadcast %get3A_1626 : f32 to vector<192x128xf32>
    %select_n3A_1669 = arith.select %gt3A_1664, %broadcast_in_dim3A_1668, %select_n3A_1594 : vector<192x128xi1>, vector<192x128xf32>
    %broadcast_in_dim3A_1670 = vector.broadcast %get3A_1630 : f32 to vector<192x128xf32>
    %select_n3A_1671 = arith.select %gt3A_1664, %broadcast_in_dim3A_1670, %select_n3A_1596 : vector<192x128xi1>, vector<192x128xf32>
    %broadcast_in_dim3A_1672 = vector.broadcast %get3A_1634 : f32 to vector<192x128xf32>
    %select_n3A_1673 = arith.select %gt3A_1664, %broadcast_in_dim3A_1672, %select_n3A_1598 : vector<192x128xi1>, vector<192x128xf32>
    %broadcast_in_dim3A_1674 = vector.broadcast %convert_element_type3A_1639 : i32 to vector<192x128xi32>
    %select_n3A_1675 = arith.select %gt3A_1664, %broadcast_in_dim3A_1674, %select_n3A_1600 : vector<192x128xi1>, vector<192x128xi32>
    %reduce_max3A_1676 = vector.shape_cast %div3A_1663 : vector<192x128xf32> to vector<1x192x128xf32>
    %reduce_max3A_1677 = arith.constant dense<0xFF800000> : vector<1xf32>
    %reduce_max3A_1678 = vector.multi_reduction <maximumf>, %reduce_max3A_1676, %reduce_max3A_1677 [1, 2] : vector<1x192x128xf32> to vector<1xf32>
    %reduce_max3A_1679 = vector.shape_cast %reduce_max3A_1678 : vector<1xf32> to vector<1x1x1xf32>
    %reduce_max3A_1680 = vector.extract %reduce_max3A_1679[0, 0, 0] : f32 from vector<1x1x1xf32>
    %eq3A_1681 = vector.broadcast %reduce_max3A_1680 : f32 to vector<192x128xf32>
    %eq3A_1682 = arith.cmpf oeq, %div3A_1663, %eq3A_1681 : vector<192x128xf32>
    %jit3A_1683 = arith.constant 1073741824 : i32
    %broadcast_in_dim3A_1684 = vector.broadcast %jit3A_1683 : i32 to vector<192x128xi32>
    %select_n3A_1685 = arith.select %eq3A_1682, %add3A, %broadcast_in_dim3A_1684 : vector<192x128xi1>, vector<192x128xi32>
    %reduce_min3A_1686 = vector.shape_cast %select_n3A_1685 : vector<192x128xi32> to vector<1x192x128xi32>
    %reduce_min3A_1687 = arith.constant dense<2147483647> : vector<1xi32>
    %reduce_min3A_1688 = vector.multi_reduction <minsi>, %reduce_min3A_1686, %reduce_min3A_1687 [1, 2] : vector<1x192x128xi32> to vector<1xi32>
    %reduce_min3A_1689 = vector.shape_cast %reduce_min3A_1688 : vector<1xi32> to vector<1x1x1xi32>
    %reduce_min3A_1690 = vector.extract %reduce_min3A_1689[0, 0, 0] : i32 from vector<1x1x1xi32>
    %eq3A_1691 = vector.broadcast %reduce_min3A_1690 : i32 to vector<192x128xi32>
    %eq3A_1692 = arith.cmpi eq, %add3A, %eq3A_1691 : vector<192x128xi32>
    %or3A_1693 = arith.ori %or3A_1618, %eq3A_1692 : vector<192x128xi1>
    %get3A_1694 = arith.constant 0 : index
    %get3A_1695 = arith.constant 0 : index
    %get3A_1696 = arith.constant 22 : index
    %get3A_1697 = memref.load %arg1[%get3A_1694, %get3A_1695, %get3A_1696] : memref<1x5x24xf32, #tpu.memory_space<smem>>
    %get3A_1698 = arith.constant 0 : index
    %get3A_1699 = arith.constant 1 : index
    %get3A_1700 = arith.constant 22 : index
    %get3A_1701 = memref.load %arg1[%get3A_1698, %get3A_1699, %get3A_1700] : memref<1x5x24xf32, #tpu.memory_space<smem>>
    %get3A_1702 = arith.constant 0 : index
    %get3A_1703 = arith.constant 2 : index
    %get3A_1704 = arith.constant 22 : index
    %get3A_1705 = memref.load %arg1[%get3A_1702, %get3A_1703, %get3A_1704] : memref<1x5x24xf32, #tpu.memory_space<smem>>
    %get3A_1706 = arith.constant 0 : index
    %get3A_1707 = arith.constant 3 : index
    %get3A_1708 = arith.constant 22 : index
    %get3A_1709 = memref.load %arg1[%get3A_1706, %get3A_1707, %get3A_1708] : memref<1x5x24xf32, #tpu.memory_space<smem>>
    %get3A_1710 = arith.constant 0 : index
    %get3A_1711 = arith.constant 4 : index
    %get3A_1712 = arith.constant 22 : index
    %get3A_1713 = memref.load %arg1[%get3A_1710, %get3A_1711, %get3A_1712] : memref<1x5x24xf32, #tpu.memory_space<smem>>
    %convert_element_type3A_1714 = arith.fptosi %get3A_1713 : f32 to i32
    %sub3A_1715 = arith.subf %get3A_1705, %get3A_1697 : f32
    %sub3A_1716 = arith.subf %get3A_1709, %get3A_1701 : f32
    %mul3A_1717 = arith.mulf %sub3A_1715, %sub3A_1716 : f32
    %max3A_1718 = vector.broadcast %get3A_1697 : f32 to vector<192x128xf32>
    %max3A_1719 = arith.maximumf %max3A_1718, %sub3A : vector<192x128xf32>
    %max3A_1720 = vector.broadcast %get3A_1701 : f32 to vector<192x128xf32>
    %max3A_1721 = arith.maximumf %max3A_1720, %sub3A_29 : vector<192x128xf32>
    %min3A_1722 = vector.broadcast %get3A_1705 : f32 to vector<192x128xf32>
    %min3A_1723 = arith.minimumf %min3A_1722, %add3A_33 : vector<192x128xf32>
    %min3A_1724 = vector.broadcast %get3A_1709 : f32 to vector<192x128xf32>
    %min3A_1725 = arith.minimumf %min3A_1724, %add3A_37 : vector<192x128xf32>
    %sub3A_1726 = arith.subf %min3A_1723, %max3A_1719 : vector<192x128xf32>
    %max3A_1727 = arith.constant 0.000000e+00 : f32
    %max3A_1728 = vector.broadcast %max3A_1727 : f32 to vector<192x128xf32>
    %max3A_1729 = arith.maximumf %sub3A_1726, %max3A_1728 : vector<192x128xf32>
    %sub3A_1730 = arith.subf %min3A_1725, %max3A_1721 : vector<192x128xf32>
    %max3A_1731 = arith.constant 0.000000e+00 : f32
    %max3A_1732 = vector.broadcast %max3A_1731 : f32 to vector<192x128xf32>
    %max3A_1733 = arith.maximumf %sub3A_1730, %max3A_1732 : vector<192x128xf32>
    %mul3A_1734 = arith.mulf %max3A_1729, %max3A_1733 : vector<192x128xf32>
    %add3A_1735 = vector.broadcast %mul3A_1717 : f32 to vector<192x128xf32>
    %add3A_1736 = arith.addf %add3A_1735, %mul3A_40 : vector<192x128xf32>
    %sub3A_1737 = arith.subf %add3A_1736, %mul3A_1734 : vector<192x128xf32>
    %div3A_1738 = arith.divf %mul3A_1734, %sub3A_1737 : vector<192x128xf32>
    %gt3A_1739 = arith.cmpf ogt, %div3A_1738, %select_n3A_1665 : vector<192x128xf32>
    %select_n3A_1740 = arith.select %gt3A_1739, %div3A_1738, %select_n3A_1665 : vector<192x128xi1>, vector<192x128xf32>
    %broadcast_in_dim3A_1741 = vector.broadcast %get3A_1697 : f32 to vector<192x128xf32>
    %select_n3A_1742 = arith.select %gt3A_1739, %broadcast_in_dim3A_1741, %select_n3A_1667 : vector<192x128xi1>, vector<192x128xf32>
    %broadcast_in_dim3A_1743 = vector.broadcast %get3A_1701 : f32 to vector<192x128xf32>
    %select_n3A_1744 = arith.select %gt3A_1739, %broadcast_in_dim3A_1743, %select_n3A_1669 : vector<192x128xi1>, vector<192x128xf32>
    %broadcast_in_dim3A_1745 = vector.broadcast %get3A_1705 : f32 to vector<192x128xf32>
    %select_n3A_1746 = arith.select %gt3A_1739, %broadcast_in_dim3A_1745, %select_n3A_1671 : vector<192x128xi1>, vector<192x128xf32>
    %broadcast_in_dim3A_1747 = vector.broadcast %get3A_1709 : f32 to vector<192x128xf32>
    %select_n3A_1748 = arith.select %gt3A_1739, %broadcast_in_dim3A_1747, %select_n3A_1673 : vector<192x128xi1>, vector<192x128xf32>
    %broadcast_in_dim3A_1749 = vector.broadcast %convert_element_type3A_1714 : i32 to vector<192x128xi32>
    %select_n3A_1750 = arith.select %gt3A_1739, %broadcast_in_dim3A_1749, %select_n3A_1675 : vector<192x128xi1>, vector<192x128xi32>
    %reduce_max3A_1751 = vector.shape_cast %div3A_1738 : vector<192x128xf32> to vector<1x192x128xf32>
    %reduce_max3A_1752 = arith.constant dense<0xFF800000> : vector<1xf32>
    %reduce_max3A_1753 = vector.multi_reduction <maximumf>, %reduce_max3A_1751, %reduce_max3A_1752 [1, 2] : vector<1x192x128xf32> to vector<1xf32>
    %reduce_max3A_1754 = vector.shape_cast %reduce_max3A_1753 : vector<1xf32> to vector<1x1x1xf32>
    %reduce_max3A_1755 = vector.extract %reduce_max3A_1754[0, 0, 0] : f32 from vector<1x1x1xf32>
    %eq3A_1756 = vector.broadcast %reduce_max3A_1755 : f32 to vector<192x128xf32>
    %eq3A_1757 = arith.cmpf oeq, %div3A_1738, %eq3A_1756 : vector<192x128xf32>
    %jit3A_1758 = arith.constant 1073741824 : i32
    %broadcast_in_dim3A_1759 = vector.broadcast %jit3A_1758 : i32 to vector<192x128xi32>
    %select_n3A_1760 = arith.select %eq3A_1757, %add3A, %broadcast_in_dim3A_1759 : vector<192x128xi1>, vector<192x128xi32>
    %reduce_min3A_1761 = vector.shape_cast %select_n3A_1760 : vector<192x128xi32> to vector<1x192x128xi32>
    %reduce_min3A_1762 = arith.constant dense<2147483647> : vector<1xi32>
    %reduce_min3A_1763 = vector.multi_reduction <minsi>, %reduce_min3A_1761, %reduce_min3A_1762 [1, 2] : vector<1x192x128xi32> to vector<1xi32>
    %reduce_min3A_1764 = vector.shape_cast %reduce_min3A_1763 : vector<1xi32> to vector<1x1x1xi32>
    %reduce_min3A_1765 = vector.extract %reduce_min3A_1764[0, 0, 0] : i32 from vector<1x1x1xi32>
    %eq3A_1766 = vector.broadcast %reduce_min3A_1765 : i32 to vector<192x128xi32>
    %eq3A_1767 = arith.cmpi eq, %add3A, %eq3A_1766 : vector<192x128xi32>
    %or3A_1768 = arith.ori %or3A_1693, %eq3A_1767 : vector<192x128xi1>
    %get3A_1769 = arith.constant 0 : index
    %get3A_1770 = arith.constant 0 : index
    %get3A_1771 = arith.constant 23 : index
    %get3A_1772 = memref.load %arg1[%get3A_1769, %get3A_1770, %get3A_1771] : memref<1x5x24xf32, #tpu.memory_space<smem>>
    %get3A_1773 = arith.constant 0 : index
    %get3A_1774 = arith.constant 1 : index
    %get3A_1775 = arith.constant 23 : index
    %get3A_1776 = memref.load %arg1[%get3A_1773, %get3A_1774, %get3A_1775] : memref<1x5x24xf32, #tpu.memory_space<smem>>
    %get3A_1777 = arith.constant 0 : index
    %get3A_1778 = arith.constant 2 : index
    %get3A_1779 = arith.constant 23 : index
    %get3A_1780 = memref.load %arg1[%get3A_1777, %get3A_1778, %get3A_1779] : memref<1x5x24xf32, #tpu.memory_space<smem>>
    %get3A_1781 = arith.constant 0 : index
    %get3A_1782 = arith.constant 3 : index
    %get3A_1783 = arith.constant 23 : index
    %get3A_1784 = memref.load %arg1[%get3A_1781, %get3A_1782, %get3A_1783] : memref<1x5x24xf32, #tpu.memory_space<smem>>
    %get3A_1785 = arith.constant 0 : index
    %get3A_1786 = arith.constant 4 : index
    %get3A_1787 = arith.constant 23 : index
    %get3A_1788 = memref.load %arg1[%get3A_1785, %get3A_1786, %get3A_1787] : memref<1x5x24xf32, #tpu.memory_space<smem>>
    %convert_element_type3A_1789 = arith.fptosi %get3A_1788 : f32 to i32
    %sub3A_1790 = arith.subf %get3A_1780, %get3A_1772 : f32
    %sub3A_1791 = arith.subf %get3A_1784, %get3A_1776 : f32
    %mul3A_1792 = arith.mulf %sub3A_1790, %sub3A_1791 : f32
    %max3A_1793 = vector.broadcast %get3A_1772 : f32 to vector<192x128xf32>
    %max3A_1794 = arith.maximumf %max3A_1793, %sub3A : vector<192x128xf32>
    %max3A_1795 = vector.broadcast %get3A_1776 : f32 to vector<192x128xf32>
    %max3A_1796 = arith.maximumf %max3A_1795, %sub3A_29 : vector<192x128xf32>
    %min3A_1797 = vector.broadcast %get3A_1780 : f32 to vector<192x128xf32>
    %min3A_1798 = arith.minimumf %min3A_1797, %add3A_33 : vector<192x128xf32>
    %min3A_1799 = vector.broadcast %get3A_1784 : f32 to vector<192x128xf32>
    %min3A_1800 = arith.minimumf %min3A_1799, %add3A_37 : vector<192x128xf32>
    %sub3A_1801 = arith.subf %min3A_1798, %max3A_1794 : vector<192x128xf32>
    %max3A_1802 = arith.constant 0.000000e+00 : f32
    %max3A_1803 = vector.broadcast %max3A_1802 : f32 to vector<192x128xf32>
    %max3A_1804 = arith.maximumf %sub3A_1801, %max3A_1803 : vector<192x128xf32>
    %sub3A_1805 = arith.subf %min3A_1800, %max3A_1796 : vector<192x128xf32>
    %max3A_1806 = arith.constant 0.000000e+00 : f32
    %max3A_1807 = vector.broadcast %max3A_1806 : f32 to vector<192x128xf32>
    %max3A_1808 = arith.maximumf %sub3A_1805, %max3A_1807 : vector<192x128xf32>
    %mul3A_1809 = arith.mulf %max3A_1804, %max3A_1808 : vector<192x128xf32>
    %add3A_1810 = vector.broadcast %mul3A_1792 : f32 to vector<192x128xf32>
    %add3A_1811 = arith.addf %add3A_1810, %mul3A_40 : vector<192x128xf32>
    %sub3A_1812 = arith.subf %add3A_1811, %mul3A_1809 : vector<192x128xf32>
    %div3A_1813 = arith.divf %mul3A_1809, %sub3A_1812 : vector<192x128xf32>
    %gt3A_1814 = arith.cmpf ogt, %div3A_1813, %select_n3A_1740 : vector<192x128xf32>
    %select_n3A_1815 = arith.select %gt3A_1814, %div3A_1813, %select_n3A_1740 : vector<192x128xi1>, vector<192x128xf32>
    %broadcast_in_dim3A_1816 = vector.broadcast %get3A_1772 : f32 to vector<192x128xf32>
    %select_n3A_1817 = arith.select %gt3A_1814, %broadcast_in_dim3A_1816, %select_n3A_1742 : vector<192x128xi1>, vector<192x128xf32>
    %broadcast_in_dim3A_1818 = vector.broadcast %get3A_1776 : f32 to vector<192x128xf32>
    %select_n3A_1819 = arith.select %gt3A_1814, %broadcast_in_dim3A_1818, %select_n3A_1744 : vector<192x128xi1>, vector<192x128xf32>
    %broadcast_in_dim3A_1820 = vector.broadcast %get3A_1780 : f32 to vector<192x128xf32>
    %select_n3A_1821 = arith.select %gt3A_1814, %broadcast_in_dim3A_1820, %select_n3A_1746 : vector<192x128xi1>, vector<192x128xf32>
    %broadcast_in_dim3A_1822 = vector.broadcast %get3A_1784 : f32 to vector<192x128xf32>
    %select_n3A_1823 = arith.select %gt3A_1814, %broadcast_in_dim3A_1822, %select_n3A_1748 : vector<192x128xi1>, vector<192x128xf32>
    %broadcast_in_dim3A_1824 = vector.broadcast %convert_element_type3A_1789 : i32 to vector<192x128xi32>
    %select_n3A_1825 = arith.select %gt3A_1814, %broadcast_in_dim3A_1824, %select_n3A_1750 : vector<192x128xi1>, vector<192x128xi32>
    %reduce_max3A_1826 = vector.shape_cast %div3A_1813 : vector<192x128xf32> to vector<1x192x128xf32>
    %reduce_max3A_1827 = arith.constant dense<0xFF800000> : vector<1xf32>
    %reduce_max3A_1828 = vector.multi_reduction <maximumf>, %reduce_max3A_1826, %reduce_max3A_1827 [1, 2] : vector<1x192x128xf32> to vector<1xf32>
    %reduce_max3A_1829 = vector.shape_cast %reduce_max3A_1828 : vector<1xf32> to vector<1x1x1xf32>
    %reduce_max3A_1830 = vector.extract %reduce_max3A_1829[0, 0, 0] : f32 from vector<1x1x1xf32>
    %eq3A_1831 = vector.broadcast %reduce_max3A_1830 : f32 to vector<192x128xf32>
    %eq3A_1832 = arith.cmpf oeq, %div3A_1813, %eq3A_1831 : vector<192x128xf32>
    %jit3A_1833 = arith.constant 1073741824 : i32
    %broadcast_in_dim3A_1834 = vector.broadcast %jit3A_1833 : i32 to vector<192x128xi32>
    %select_n3A_1835 = arith.select %eq3A_1832, %add3A, %broadcast_in_dim3A_1834 : vector<192x128xi1>, vector<192x128xi32>
    %reduce_min3A_1836 = vector.shape_cast %select_n3A_1835 : vector<192x128xi32> to vector<1x192x128xi32>
    %reduce_min3A_1837 = arith.constant dense<2147483647> : vector<1xi32>
    %reduce_min3A_1838 = vector.multi_reduction <minsi>, %reduce_min3A_1836, %reduce_min3A_1837 [1, 2] : vector<1x192x128xi32> to vector<1xi32>
    %reduce_min3A_1839 = vector.shape_cast %reduce_min3A_1838 : vector<1xi32> to vector<1x1x1xi32>
    %reduce_min3A_1840 = vector.extract %reduce_min3A_1839[0, 0, 0] : i32 from vector<1x1x1xi32>
    %eq3A_1841 = vector.broadcast %reduce_min3A_1840 : i32 to vector<192x128xi32>
    %eq3A_1842 = arith.cmpi eq, %add3A, %eq3A_1841 : vector<192x128xi32>
    %or3A_1843 = arith.ori %or3A_1768, %eq3A_1842 : vector<192x128xi1>
    %jit3A_1844 = arith.constant 2.000000e+00 : f32
    %broadcast_in_dim3A_1845 = vector.broadcast %jit3A_1844 : f32 to vector<192x128xf32>
    %select_n3A_1846 = arith.select %or3A_1843, %broadcast_in_dim3A_1845, %select_n3A_1815 : vector<192x128xi1>, vector<192x128xf32>
    %lt3A_1847 = arith.constant 5.000000e-01 : f32
    %lt3A_1848 = vector.broadcast %lt3A_1847 : f32 to vector<192x128xf32>
    %lt3A_1849 = arith.cmpf olt, %select_n3A_1846, %lt3A_1848 : vector<192x128xf32>
    %not3A = arith.constant dense<true> : vector<192x128xi1>
    %not3A_1850 = arith.xori %lt3A_1849, %not3A : vector<192x128xi1>
    %and3A = arith.andi %not3A_1850, %lt3A_4 : vector<192x128xi1>
    %convert_element_type3A_1851 = arith.extui %and3A : vector<192x128xi1> to vector<192x128xi32>
    %reduce_sum3A = vector.shape_cast %convert_element_type3A_1851 : vector<192x128xi32> to vector<1x192x128xi32>
    %reduce_sum3A_1852 = arith.constant dense<0> : vector<1xi32>
    %reduce_sum3A_1853 = vector.multi_reduction <add>, %reduce_sum3A, %reduce_sum3A_1852 [1, 2] : vector<1x192x128xi32> to vector<1xi32>
    %reduce_sum3A_1854 = vector.shape_cast %reduce_sum3A_1853 : vector<1xi32> to vector<1x1x1xi32>
    %reduce_sum3A_1855 = vector.extract %reduce_sum3A_1854[0, 0, 0] : i32 from vector<1x1x1xi32>
    %add3A_1856 = arith.addf %select_n3A_1817, %select_n3A_1821 : vector<192x128xf32>
    %div3A_1857 = arith.constant 2.000000e+00 : f32
    %div3A_1858 = vector.broadcast %div3A_1857 : f32 to vector<192x128xf32>
    %div3A_1859 = arith.divf %add3A_1856, %div3A_1858 : vector<192x128xf32>
    %sub3A_1860 = arith.subf %div3A_1859, %get3A_8 : vector<192x128xf32>
    %mul3A_1861 = arith.constant 1.000000e-01 : f32
    %mul3A_1862 = vector.broadcast %mul3A_1861 : f32 to vector<192x128xf32>
    %mul3A_1863 = arith.mulf %get3A_18, %mul3A_1862 : vector<192x128xf32>
    %div3A_1864 = arith.divf %sub3A_1860, %mul3A_1863 : vector<192x128xf32>
    %add3A_1865 = arith.addf %select_n3A_1819, %select_n3A_1823 : vector<192x128xf32>
    %div3A_1866 = arith.constant 2.000000e+00 : f32
    %div3A_1867 = vector.broadcast %div3A_1866 : f32 to vector<192x128xf32>
    %div3A_1868 = arith.divf %add3A_1865, %div3A_1867 : vector<192x128xf32>
    %sub3A_1869 = arith.subf %div3A_1868, %get3A_13 : vector<192x128xf32>
    %mul3A_1870 = arith.constant 1.000000e-01 : f32
    %mul3A_1871 = vector.broadcast %mul3A_1870 : f32 to vector<192x128xf32>
    %mul3A_1872 = arith.mulf %get3A_23, %mul3A_1871 : vector<192x128xf32>
    %div3A_1873 = arith.divf %sub3A_1869, %mul3A_1872 : vector<192x128xf32>
    %sub3A_1874 = arith.subf %select_n3A_1821, %select_n3A_1817 : vector<192x128xf32>
    %div3A_1875 = arith.divf %sub3A_1874, %get3A_18 : vector<192x128xf32>
    %log3A = math.log %div3A_1875 : vector<192x128xf32>
    %div3A_1876 = arith.constant 2.000000e-01 : f32
    %div3A_1877 = vector.broadcast %div3A_1876 : f32 to vector<192x128xf32>
    %div3A_1878 = arith.divf %log3A, %div3A_1877 : vector<192x128xf32>
    %sub3A_1879 = arith.subf %select_n3A_1823, %select_n3A_1819 : vector<192x128xf32>
    %div3A_1880 = arith.divf %sub3A_1879, %get3A_23 : vector<192x128xf32>
    %log3A_1881 = math.log %div3A_1880 : vector<192x128xf32>
    %div3A_1882 = arith.constant 2.000000e-01 : f32
    %div3A_1883 = vector.broadcast %div3A_1882 : f32 to vector<192x128xf32>
    %div3A_1884 = arith.divf %log3A_1881, %div3A_1883 : vector<192x128xf32>
    %get3A_1885 = arith.constant 0 : index
    %get3A_1886 = arith.constant 0 : index
    %get3A_1887 = arith.constant 0 : index
    %get3A_1888 = arith.constant 0 : index
    %get3A_1889 = vector.load %arg3[%get3A_1885, %get3A_1886, %get3A_1887, %get3A_1888] : memref<1x4x192x128xf32, #tpu.memory_space<vmem>>, vector<1x1x192x128xf32>
    %get3A_1890 = vector.shape_cast %get3A_1889 : vector<1x1x192x128xf32> to vector<192x128xf32>
    %sub3A_1891 = arith.subf %get3A_1890, %div3A_1864 : vector<192x128xf32>
    %abs3A = math.absf %sub3A_1891 : vector<192x128xf32>
    %lt3A_1892 = arith.constant 1.000000e+00 : f32
    %lt3A_1893 = vector.broadcast %lt3A_1892 : f32 to vector<192x128xf32>
    %lt3A_1894 = arith.cmpf olt, %abs3A, %lt3A_1893 : vector<192x128xf32>
    %mul3A_1895 = arith.constant 5.000000e-01 : f32
    %mul3A_1896 = vector.broadcast %mul3A_1895 : f32 to vector<192x128xf32>
    %mul3A_1897 = arith.mulf %mul3A_1896, %sub3A_1891 : vector<192x128xf32>
    %mul3A_1898 = arith.mulf %mul3A_1897, %sub3A_1891 : vector<192x128xf32>
    %sub3A_1899 = arith.constant 5.000000e-01 : f32
    %sub3A_1900 = vector.broadcast %sub3A_1899 : f32 to vector<192x128xf32>
    %sub3A_1901 = arith.subf %abs3A, %sub3A_1900 : vector<192x128xf32>
    %select_n3A_1902 = arith.select %lt3A_1894, %mul3A_1898, %sub3A_1901 : vector<192x128xi1>, vector<192x128xf32>
    %get3A_1903 = arith.constant 0 : index
    %get3A_1904 = arith.constant 1 : index
    %get3A_1905 = arith.constant 0 : index
    %get3A_1906 = arith.constant 0 : index
    %get3A_1907 = vector.load %arg3[%get3A_1903, %get3A_1904, %get3A_1905, %get3A_1906] : memref<1x4x192x128xf32, #tpu.memory_space<vmem>>, vector<1x1x192x128xf32>
    %get3A_1908 = vector.shape_cast %get3A_1907 : vector<1x1x192x128xf32> to vector<192x128xf32>
    %sub3A_1909 = arith.subf %get3A_1908, %div3A_1873 : vector<192x128xf32>
    %abs3A_1910 = math.absf %sub3A_1909 : vector<192x128xf32>
    %lt3A_1911 = arith.constant 1.000000e+00 : f32
    %lt3A_1912 = vector.broadcast %lt3A_1911 : f32 to vector<192x128xf32>
    %lt3A_1913 = arith.cmpf olt, %abs3A_1910, %lt3A_1912 : vector<192x128xf32>
    %mul3A_1914 = arith.constant 5.000000e-01 : f32
    %mul3A_1915 = vector.broadcast %mul3A_1914 : f32 to vector<192x128xf32>
    %mul3A_1916 = arith.mulf %mul3A_1915, %sub3A_1909 : vector<192x128xf32>
    %mul3A_1917 = arith.mulf %mul3A_1916, %sub3A_1909 : vector<192x128xf32>
    %sub3A_1918 = arith.constant 5.000000e-01 : f32
    %sub3A_1919 = vector.broadcast %sub3A_1918 : f32 to vector<192x128xf32>
    %sub3A_1920 = arith.subf %abs3A_1910, %sub3A_1919 : vector<192x128xf32>
    %select_n3A_1921 = arith.select %lt3A_1913, %mul3A_1917, %sub3A_1920 : vector<192x128xi1>, vector<192x128xf32>
    %add3A_1922 = arith.addf %select_n3A_1902, %select_n3A_1921 : vector<192x128xf32>
    %get3A_1923 = arith.constant 0 : index
    %get3A_1924 = arith.constant 2 : index
    %get3A_1925 = arith.constant 0 : index
    %get3A_1926 = arith.constant 0 : index
    %get3A_1927 = vector.load %arg3[%get3A_1923, %get3A_1924, %get3A_1925, %get3A_1926] : memref<1x4x192x128xf32, #tpu.memory_space<vmem>>, vector<1x1x192x128xf32>
    %get3A_1928 = vector.shape_cast %get3A_1927 : vector<1x1x192x128xf32> to vector<192x128xf32>
    %sub3A_1929 = arith.subf %get3A_1928, %div3A_1878 : vector<192x128xf32>
    %abs3A_1930 = math.absf %sub3A_1929 : vector<192x128xf32>
    %lt3A_1931 = arith.constant 1.000000e+00 : f32
    %lt3A_1932 = vector.broadcast %lt3A_1931 : f32 to vector<192x128xf32>
    %lt3A_1933 = arith.cmpf olt, %abs3A_1930, %lt3A_1932 : vector<192x128xf32>
    %mul3A_1934 = arith.constant 5.000000e-01 : f32
    %mul3A_1935 = vector.broadcast %mul3A_1934 : f32 to vector<192x128xf32>
    %mul3A_1936 = arith.mulf %mul3A_1935, %sub3A_1929 : vector<192x128xf32>
    %mul3A_1937 = arith.mulf %mul3A_1936, %sub3A_1929 : vector<192x128xf32>
    %sub3A_1938 = arith.constant 5.000000e-01 : f32
    %sub3A_1939 = vector.broadcast %sub3A_1938 : f32 to vector<192x128xf32>
    %sub3A_1940 = arith.subf %abs3A_1930, %sub3A_1939 : vector<192x128xf32>
    %select_n3A_1941 = arith.select %lt3A_1933, %mul3A_1937, %sub3A_1940 : vector<192x128xi1>, vector<192x128xf32>
    %add3A_1942 = arith.addf %add3A_1922, %select_n3A_1941 : vector<192x128xf32>
    %get3A_1943 = arith.constant 0 : index
    %get3A_1944 = arith.constant 3 : index
    %get3A_1945 = arith.constant 0 : index
    %get3A_1946 = arith.constant 0 : index
    %get3A_1947 = vector.load %arg3[%get3A_1943, %get3A_1944, %get3A_1945, %get3A_1946] : memref<1x4x192x128xf32, #tpu.memory_space<vmem>>, vector<1x1x192x128xf32>
    %get3A_1948 = vector.shape_cast %get3A_1947 : vector<1x1x192x128xf32> to vector<192x128xf32>
    %sub3A_1949 = arith.subf %get3A_1948, %div3A_1884 : vector<192x128xf32>
    %abs3A_1950 = math.absf %sub3A_1949 : vector<192x128xf32>
    %lt3A_1951 = arith.constant 1.000000e+00 : f32
    %lt3A_1952 = vector.broadcast %lt3A_1951 : f32 to vector<192x128xf32>
    %lt3A_1953 = arith.cmpf olt, %abs3A_1950, %lt3A_1952 : vector<192x128xf32>
    %mul3A_1954 = arith.constant 5.000000e-01 : f32
    %mul3A_1955 = vector.broadcast %mul3A_1954 : f32 to vector<192x128xf32>
    %mul3A_1956 = arith.mulf %mul3A_1955, %sub3A_1949 : vector<192x128xf32>
    %mul3A_1957 = arith.mulf %mul3A_1956, %sub3A_1949 : vector<192x128xf32>
    %sub3A_1958 = arith.constant 5.000000e-01 : f32
    %sub3A_1959 = vector.broadcast %sub3A_1958 : f32 to vector<192x128xf32>
    %sub3A_1960 = arith.subf %abs3A_1950, %sub3A_1959 : vector<192x128xf32>
    %select_n3A_1961 = arith.select %lt3A_1953, %mul3A_1957, %sub3A_1960 : vector<192x128xi1>, vector<192x128xf32>
    %add3A_1962 = arith.addf %add3A_1942, %select_n3A_1961 : vector<192x128xf32>
    %jit3A_1963 = arith.constant 0.000000e+00 : f32
    %broadcast_in_dim3A_1964 = vector.broadcast %jit3A_1963 : f32 to vector<192x128xf32>
    %select_n3A_1965 = arith.select %and3A, %add3A_1962, %broadcast_in_dim3A_1964 : vector<192x128xi1>, vector<192x128xf32>
    %reduce_sum3A_1966 = vector.shape_cast %select_n3A_1965 : vector<192x128xf32> to vector<1x192x128xf32>
    %reduce_sum3A_1967 = arith.constant dense<0.000000e+00> : vector<1xf32>
    %reduce_sum3A_1968 = vector.multi_reduction <add>, %reduce_sum3A_1966, %reduce_sum3A_1967 [1, 2] : vector<1x192x128xf32> to vector<1xf32>
    %reduce_sum3A_1969 = vector.shape_cast %reduce_sum3A_1968 : vector<1xf32> to vector<1x1x1xf32>
    %reduce_sum3A_1970 = vector.extract %reduce_sum3A_1969[0, 0, 0] : f32 from vector<1x1x1xf32>
    %add3A_1971 = arith.constant 1 : i32
    %add3A_1972 = vector.broadcast %add3A_1971 : i32 to vector<192x128xi32>
    %add3A_1973 = arith.addi %select_n3A_1825, %add3A_1972 : vector<192x128xi32>
    %jit3A_1974 = arith.constant 0 : i32
    %broadcast_in_dim3A_1975 = vector.broadcast %jit3A_1974 : i32 to vector<192x128xi32>
    %select_n3A_1976 = arith.select %and3A, %add3A_1973, %broadcast_in_dim3A_1975 : vector<192x128xi1>, vector<192x128xi32>
    %broadcast_in_dim3A_1977 = arith.constant 0.000000e+00 : f32
    %broadcast_in_dim3A_1978 = vector.broadcast %broadcast_in_dim3A_1977 : f32 to vector<192x128xf32>
    %broadcast_in_dim3A_1979 = arith.constant 0.000000e+00 : f32
    %broadcast_in_dim3A_1980 = vector.broadcast %broadcast_in_dim3A_1979 : f32 to vector<192x128xf32>
    %get3A_1981 = arith.constant 0 : index
    %get3A_1982 = arith.constant 0 : index
    %get3A_1983 = arith.constant 0 : index
    %get3A_1984 = arith.constant 0 : index
    %get3A_1985 = vector.load %arg4[%get3A_1981, %get3A_1982, %get3A_1983, %get3A_1984] : memref<1x21x192x128xf32, #tpu.memory_space<vmem>>, vector<1x1x192x128xf32>
    %get3A_1986 = vector.shape_cast %get3A_1985 : vector<1x1x192x128xf32> to vector<192x128xf32>
    %exp3A = math.exp %get3A_1986 : vector<192x128xf32>
    %add3A_1987 = arith.addf %broadcast_in_dim3A_1978, %exp3A : vector<192x128xf32>
    %eq3A_1988 = arith.constant 0 : i32
    %eq3A_1989 = vector.broadcast %eq3A_1988 : i32 to vector<192x128xi32>
    %eq3A_1990 = arith.cmpi eq, %select_n3A_1976, %eq3A_1989 : vector<192x128xi32>
    %select_n3A_1991 = arith.select %eq3A_1990, %get3A_1986, %broadcast_in_dim3A_1980 : vector<192x128xi1>, vector<192x128xf32>
    %get3A_1992 = arith.constant 0 : index
    %get3A_1993 = arith.constant 1 : index
    %get3A_1994 = arith.constant 0 : index
    %get3A_1995 = arith.constant 0 : index
    %get3A_1996 = vector.load %arg4[%get3A_1992, %get3A_1993, %get3A_1994, %get3A_1995] : memref<1x21x192x128xf32, #tpu.memory_space<vmem>>, vector<1x1x192x128xf32>
    %get3A_1997 = vector.shape_cast %get3A_1996 : vector<1x1x192x128xf32> to vector<192x128xf32>
    %exp3A_1998 = math.exp %get3A_1997 : vector<192x128xf32>
    %add3A_1999 = arith.addf %add3A_1987, %exp3A_1998 : vector<192x128xf32>
    %eq3A_2000 = arith.constant 1 : i32
    %eq3A_2001 = vector.broadcast %eq3A_2000 : i32 to vector<192x128xi32>
    %eq3A_2002 = arith.cmpi eq, %select_n3A_1976, %eq3A_2001 : vector<192x128xi32>
    %select_n3A_2003 = arith.select %eq3A_2002, %get3A_1997, %select_n3A_1991 : vector<192x128xi1>, vector<192x128xf32>
    %get3A_2004 = arith.constant 0 : index
    %get3A_2005 = arith.constant 2 : index
    %get3A_2006 = arith.constant 0 : index
    %get3A_2007 = arith.constant 0 : index
    %get3A_2008 = vector.load %arg4[%get3A_2004, %get3A_2005, %get3A_2006, %get3A_2007] : memref<1x21x192x128xf32, #tpu.memory_space<vmem>>, vector<1x1x192x128xf32>
    %get3A_2009 = vector.shape_cast %get3A_2008 : vector<1x1x192x128xf32> to vector<192x128xf32>
    %exp3A_2010 = math.exp %get3A_2009 : vector<192x128xf32>
    %add3A_2011 = arith.addf %add3A_1999, %exp3A_2010 : vector<192x128xf32>
    %eq3A_2012 = arith.constant 2 : i32
    %eq3A_2013 = vector.broadcast %eq3A_2012 : i32 to vector<192x128xi32>
    %eq3A_2014 = arith.cmpi eq, %select_n3A_1976, %eq3A_2013 : vector<192x128xi32>
    %select_n3A_2015 = arith.select %eq3A_2014, %get3A_2009, %select_n3A_2003 : vector<192x128xi1>, vector<192x128xf32>
    %get3A_2016 = arith.constant 0 : index
    %get3A_2017 = arith.constant 3 : index
    %get3A_2018 = arith.constant 0 : index
    %get3A_2019 = arith.constant 0 : index
    %get3A_2020 = vector.load %arg4[%get3A_2016, %get3A_2017, %get3A_2018, %get3A_2019] : memref<1x21x192x128xf32, #tpu.memory_space<vmem>>, vector<1x1x192x128xf32>
    %get3A_2021 = vector.shape_cast %get3A_2020 : vector<1x1x192x128xf32> to vector<192x128xf32>
    %exp3A_2022 = math.exp %get3A_2021 : vector<192x128xf32>
    %add3A_2023 = arith.addf %add3A_2011, %exp3A_2022 : vector<192x128xf32>
    %eq3A_2024 = arith.constant 3 : i32
    %eq3A_2025 = vector.broadcast %eq3A_2024 : i32 to vector<192x128xi32>
    %eq3A_2026 = arith.cmpi eq, %select_n3A_1976, %eq3A_2025 : vector<192x128xi32>
    %select_n3A_2027 = arith.select %eq3A_2026, %get3A_2021, %select_n3A_2015 : vector<192x128xi1>, vector<192x128xf32>
    %get3A_2028 = arith.constant 0 : index
    %get3A_2029 = arith.constant 4 : index
    %get3A_2030 = arith.constant 0 : index
    %get3A_2031 = arith.constant 0 : index
    %get3A_2032 = vector.load %arg4[%get3A_2028, %get3A_2029, %get3A_2030, %get3A_2031] : memref<1x21x192x128xf32, #tpu.memory_space<vmem>>, vector<1x1x192x128xf32>
    %get3A_2033 = vector.shape_cast %get3A_2032 : vector<1x1x192x128xf32> to vector<192x128xf32>
    %exp3A_2034 = math.exp %get3A_2033 : vector<192x128xf32>
    %add3A_2035 = arith.addf %add3A_2023, %exp3A_2034 : vector<192x128xf32>
    %eq3A_2036 = arith.constant 4 : i32
    %eq3A_2037 = vector.broadcast %eq3A_2036 : i32 to vector<192x128xi32>
    %eq3A_2038 = arith.cmpi eq, %select_n3A_1976, %eq3A_2037 : vector<192x128xi32>
    %select_n3A_2039 = arith.select %eq3A_2038, %get3A_2033, %select_n3A_2027 : vector<192x128xi1>, vector<192x128xf32>
    %get3A_2040 = arith.constant 0 : index
    %get3A_2041 = arith.constant 5 : index
    %get3A_2042 = arith.constant 0 : index
    %get3A_2043 = arith.constant 0 : index
    %get3A_2044 = vector.load %arg4[%get3A_2040, %get3A_2041, %get3A_2042, %get3A_2043] : memref<1x21x192x128xf32, #tpu.memory_space<vmem>>, vector<1x1x192x128xf32>
    %get3A_2045 = vector.shape_cast %get3A_2044 : vector<1x1x192x128xf32> to vector<192x128xf32>
    %exp3A_2046 = math.exp %get3A_2045 : vector<192x128xf32>
    %add3A_2047 = arith.addf %add3A_2035, %exp3A_2046 : vector<192x128xf32>
    %eq3A_2048 = arith.constant 5 : i32
    %eq3A_2049 = vector.broadcast %eq3A_2048 : i32 to vector<192x128xi32>
    %eq3A_2050 = arith.cmpi eq, %select_n3A_1976, %eq3A_2049 : vector<192x128xi32>
    %select_n3A_2051 = arith.select %eq3A_2050, %get3A_2045, %select_n3A_2039 : vector<192x128xi1>, vector<192x128xf32>
    %get3A_2052 = arith.constant 0 : index
    %get3A_2053 = arith.constant 6 : index
    %get3A_2054 = arith.constant 0 : index
    %get3A_2055 = arith.constant 0 : index
    %get3A_2056 = vector.load %arg4[%get3A_2052, %get3A_2053, %get3A_2054, %get3A_2055] : memref<1x21x192x128xf32, #tpu.memory_space<vmem>>, vector<1x1x192x128xf32>
    %get3A_2057 = vector.shape_cast %get3A_2056 : vector<1x1x192x128xf32> to vector<192x128xf32>
    %exp3A_2058 = math.exp %get3A_2057 : vector<192x128xf32>
    %add3A_2059 = arith.addf %add3A_2047, %exp3A_2058 : vector<192x128xf32>
    %eq3A_2060 = arith.constant 6 : i32
    %eq3A_2061 = vector.broadcast %eq3A_2060 : i32 to vector<192x128xi32>
    %eq3A_2062 = arith.cmpi eq, %select_n3A_1976, %eq3A_2061 : vector<192x128xi32>
    %select_n3A_2063 = arith.select %eq3A_2062, %get3A_2057, %select_n3A_2051 : vector<192x128xi1>, vector<192x128xf32>
    %get3A_2064 = arith.constant 0 : index
    %get3A_2065 = arith.constant 7 : index
    %get3A_2066 = arith.constant 0 : index
    %get3A_2067 = arith.constant 0 : index
    %get3A_2068 = vector.load %arg4[%get3A_2064, %get3A_2065, %get3A_2066, %get3A_2067] : memref<1x21x192x128xf32, #tpu.memory_space<vmem>>, vector<1x1x192x128xf32>
    %get3A_2069 = vector.shape_cast %get3A_2068 : vector<1x1x192x128xf32> to vector<192x128xf32>
    %exp3A_2070 = math.exp %get3A_2069 : vector<192x128xf32>
    %add3A_2071 = arith.addf %add3A_2059, %exp3A_2070 : vector<192x128xf32>
    %eq3A_2072 = arith.constant 7 : i32
    %eq3A_2073 = vector.broadcast %eq3A_2072 : i32 to vector<192x128xi32>
    %eq3A_2074 = arith.cmpi eq, %select_n3A_1976, %eq3A_2073 : vector<192x128xi32>
    %select_n3A_2075 = arith.select %eq3A_2074, %get3A_2069, %select_n3A_2063 : vector<192x128xi1>, vector<192x128xf32>
    %get3A_2076 = arith.constant 0 : index
    %get3A_2077 = arith.constant 8 : index
    %get3A_2078 = arith.constant 0 : index
    %get3A_2079 = arith.constant 0 : index
    %get3A_2080 = vector.load %arg4[%get3A_2076, %get3A_2077, %get3A_2078, %get3A_2079] : memref<1x21x192x128xf32, #tpu.memory_space<vmem>>, vector<1x1x192x128xf32>
    %get3A_2081 = vector.shape_cast %get3A_2080 : vector<1x1x192x128xf32> to vector<192x128xf32>
    %exp3A_2082 = math.exp %get3A_2081 : vector<192x128xf32>
    %add3A_2083 = arith.addf %add3A_2071, %exp3A_2082 : vector<192x128xf32>
    %eq3A_2084 = arith.constant 8 : i32
    %eq3A_2085 = vector.broadcast %eq3A_2084 : i32 to vector<192x128xi32>
    %eq3A_2086 = arith.cmpi eq, %select_n3A_1976, %eq3A_2085 : vector<192x128xi32>
    %select_n3A_2087 = arith.select %eq3A_2086, %get3A_2081, %select_n3A_2075 : vector<192x128xi1>, vector<192x128xf32>
    %get3A_2088 = arith.constant 0 : index
    %get3A_2089 = arith.constant 9 : index
    %get3A_2090 = arith.constant 0 : index
    %get3A_2091 = arith.constant 0 : index
    %get3A_2092 = vector.load %arg4[%get3A_2088, %get3A_2089, %get3A_2090, %get3A_2091] : memref<1x21x192x128xf32, #tpu.memory_space<vmem>>, vector<1x1x192x128xf32>
    %get3A_2093 = vector.shape_cast %get3A_2092 : vector<1x1x192x128xf32> to vector<192x128xf32>
    %exp3A_2094 = math.exp %get3A_2093 : vector<192x128xf32>
    %add3A_2095 = arith.addf %add3A_2083, %exp3A_2094 : vector<192x128xf32>
    %eq3A_2096 = arith.constant 9 : i32
    %eq3A_2097 = vector.broadcast %eq3A_2096 : i32 to vector<192x128xi32>
    %eq3A_2098 = arith.cmpi eq, %select_n3A_1976, %eq3A_2097 : vector<192x128xi32>
    %select_n3A_2099 = arith.select %eq3A_2098, %get3A_2093, %select_n3A_2087 : vector<192x128xi1>, vector<192x128xf32>
    %get3A_2100 = arith.constant 0 : index
    %get3A_2101 = arith.constant 10 : index
    %get3A_2102 = arith.constant 0 : index
    %get3A_2103 = arith.constant 0 : index
    %get3A_2104 = vector.load %arg4[%get3A_2100, %get3A_2101, %get3A_2102, %get3A_2103] : memref<1x21x192x128xf32, #tpu.memory_space<vmem>>, vector<1x1x192x128xf32>
    %get3A_2105 = vector.shape_cast %get3A_2104 : vector<1x1x192x128xf32> to vector<192x128xf32>
    %exp3A_2106 = math.exp %get3A_2105 : vector<192x128xf32>
    %add3A_2107 = arith.addf %add3A_2095, %exp3A_2106 : vector<192x128xf32>
    %eq3A_2108 = arith.constant 10 : i32
    %eq3A_2109 = vector.broadcast %eq3A_2108 : i32 to vector<192x128xi32>
    %eq3A_2110 = arith.cmpi eq, %select_n3A_1976, %eq3A_2109 : vector<192x128xi32>
    %select_n3A_2111 = arith.select %eq3A_2110, %get3A_2105, %select_n3A_2099 : vector<192x128xi1>, vector<192x128xf32>
    %get3A_2112 = arith.constant 0 : index
    %get3A_2113 = arith.constant 11 : index
    %get3A_2114 = arith.constant 0 : index
    %get3A_2115 = arith.constant 0 : index
    %get3A_2116 = vector.load %arg4[%get3A_2112, %get3A_2113, %get3A_2114, %get3A_2115] : memref<1x21x192x128xf32, #tpu.memory_space<vmem>>, vector<1x1x192x128xf32>
    %get3A_2117 = vector.shape_cast %get3A_2116 : vector<1x1x192x128xf32> to vector<192x128xf32>
    %exp3A_2118 = math.exp %get3A_2117 : vector<192x128xf32>
    %add3A_2119 = arith.addf %add3A_2107, %exp3A_2118 : vector<192x128xf32>
    %eq3A_2120 = arith.constant 11 : i32
    %eq3A_2121 = vector.broadcast %eq3A_2120 : i32 to vector<192x128xi32>
    %eq3A_2122 = arith.cmpi eq, %select_n3A_1976, %eq3A_2121 : vector<192x128xi32>
    %select_n3A_2123 = arith.select %eq3A_2122, %get3A_2117, %select_n3A_2111 : vector<192x128xi1>, vector<192x128xf32>
    %get3A_2124 = arith.constant 0 : index
    %get3A_2125 = arith.constant 12 : index
    %get3A_2126 = arith.constant 0 : index
    %get3A_2127 = arith.constant 0 : index
    %get3A_2128 = vector.load %arg4[%get3A_2124, %get3A_2125, %get3A_2126, %get3A_2127] : memref<1x21x192x128xf32, #tpu.memory_space<vmem>>, vector<1x1x192x128xf32>
    %get3A_2129 = vector.shape_cast %get3A_2128 : vector<1x1x192x128xf32> to vector<192x128xf32>
    %exp3A_2130 = math.exp %get3A_2129 : vector<192x128xf32>
    %add3A_2131 = arith.addf %add3A_2119, %exp3A_2130 : vector<192x128xf32>
    %eq3A_2132 = arith.constant 12 : i32
    %eq3A_2133 = vector.broadcast %eq3A_2132 : i32 to vector<192x128xi32>
    %eq3A_2134 = arith.cmpi eq, %select_n3A_1976, %eq3A_2133 : vector<192x128xi32>
    %select_n3A_2135 = arith.select %eq3A_2134, %get3A_2129, %select_n3A_2123 : vector<192x128xi1>, vector<192x128xf32>
    %get3A_2136 = arith.constant 0 : index
    %get3A_2137 = arith.constant 13 : index
    %get3A_2138 = arith.constant 0 : index
    %get3A_2139 = arith.constant 0 : index
    %get3A_2140 = vector.load %arg4[%get3A_2136, %get3A_2137, %get3A_2138, %get3A_2139] : memref<1x21x192x128xf32, #tpu.memory_space<vmem>>, vector<1x1x192x128xf32>
    %get3A_2141 = vector.shape_cast %get3A_2140 : vector<1x1x192x128xf32> to vector<192x128xf32>
    %exp3A_2142 = math.exp %get3A_2141 : vector<192x128xf32>
    %add3A_2143 = arith.addf %add3A_2131, %exp3A_2142 : vector<192x128xf32>
    %eq3A_2144 = arith.constant 13 : i32
    %eq3A_2145 = vector.broadcast %eq3A_2144 : i32 to vector<192x128xi32>
    %eq3A_2146 = arith.cmpi eq, %select_n3A_1976, %eq3A_2145 : vector<192x128xi32>
    %select_n3A_2147 = arith.select %eq3A_2146, %get3A_2141, %select_n3A_2135 : vector<192x128xi1>, vector<192x128xf32>
    %get3A_2148 = arith.constant 0 : index
    %get3A_2149 = arith.constant 14 : index
    %get3A_2150 = arith.constant 0 : index
    %get3A_2151 = arith.constant 0 : index
    %get3A_2152 = vector.load %arg4[%get3A_2148, %get3A_2149, %get3A_2150, %get3A_2151] : memref<1x21x192x128xf32, #tpu.memory_space<vmem>>, vector<1x1x192x128xf32>
    %get3A_2153 = vector.shape_cast %get3A_2152 : vector<1x1x192x128xf32> to vector<192x128xf32>
    %exp3A_2154 = math.exp %get3A_2153 : vector<192x128xf32>
    %add3A_2155 = arith.addf %add3A_2143, %exp3A_2154 : vector<192x128xf32>
    %eq3A_2156 = arith.constant 14 : i32
    %eq3A_2157 = vector.broadcast %eq3A_2156 : i32 to vector<192x128xi32>
    %eq3A_2158 = arith.cmpi eq, %select_n3A_1976, %eq3A_2157 : vector<192x128xi32>
    %select_n3A_2159 = arith.select %eq3A_2158, %get3A_2153, %select_n3A_2147 : vector<192x128xi1>, vector<192x128xf32>
    %get3A_2160 = arith.constant 0 : index
    %get3A_2161 = arith.constant 15 : index
    %get3A_2162 = arith.constant 0 : index
    %get3A_2163 = arith.constant 0 : index
    %get3A_2164 = vector.load %arg4[%get3A_2160, %get3A_2161, %get3A_2162, %get3A_2163] : memref<1x21x192x128xf32, #tpu.memory_space<vmem>>, vector<1x1x192x128xf32>
    %get3A_2165 = vector.shape_cast %get3A_2164 : vector<1x1x192x128xf32> to vector<192x128xf32>
    %exp3A_2166 = math.exp %get3A_2165 : vector<192x128xf32>
    %add3A_2167 = arith.addf %add3A_2155, %exp3A_2166 : vector<192x128xf32>
    %eq3A_2168 = arith.constant 15 : i32
    %eq3A_2169 = vector.broadcast %eq3A_2168 : i32 to vector<192x128xi32>
    %eq3A_2170 = arith.cmpi eq, %select_n3A_1976, %eq3A_2169 : vector<192x128xi32>
    %select_n3A_2171 = arith.select %eq3A_2170, %get3A_2165, %select_n3A_2159 : vector<192x128xi1>, vector<192x128xf32>
    %get3A_2172 = arith.constant 0 : index
    %get3A_2173 = arith.constant 16 : index
    %get3A_2174 = arith.constant 0 : index
    %get3A_2175 = arith.constant 0 : index
    %get3A_2176 = vector.load %arg4[%get3A_2172, %get3A_2173, %get3A_2174, %get3A_2175] : memref<1x21x192x128xf32, #tpu.memory_space<vmem>>, vector<1x1x192x128xf32>
    %get3A_2177 = vector.shape_cast %get3A_2176 : vector<1x1x192x128xf32> to vector<192x128xf32>
    %exp3A_2178 = math.exp %get3A_2177 : vector<192x128xf32>
    %add3A_2179 = arith.addf %add3A_2167, %exp3A_2178 : vector<192x128xf32>
    %eq3A_2180 = arith.constant 16 : i32
    %eq3A_2181 = vector.broadcast %eq3A_2180 : i32 to vector<192x128xi32>
    %eq3A_2182 = arith.cmpi eq, %select_n3A_1976, %eq3A_2181 : vector<192x128xi32>
    %select_n3A_2183 = arith.select %eq3A_2182, %get3A_2177, %select_n3A_2171 : vector<192x128xi1>, vector<192x128xf32>
    %get3A_2184 = arith.constant 0 : index
    %get3A_2185 = arith.constant 17 : index
    %get3A_2186 = arith.constant 0 : index
    %get3A_2187 = arith.constant 0 : index
    %get3A_2188 = vector.load %arg4[%get3A_2184, %get3A_2185, %get3A_2186, %get3A_2187] : memref<1x21x192x128xf32, #tpu.memory_space<vmem>>, vector<1x1x192x128xf32>
    %get3A_2189 = vector.shape_cast %get3A_2188 : vector<1x1x192x128xf32> to vector<192x128xf32>
    %exp3A_2190 = math.exp %get3A_2189 : vector<192x128xf32>
    %add3A_2191 = arith.addf %add3A_2179, %exp3A_2190 : vector<192x128xf32>
    %eq3A_2192 = arith.constant 17 : i32
    %eq3A_2193 = vector.broadcast %eq3A_2192 : i32 to vector<192x128xi32>
    %eq3A_2194 = arith.cmpi eq, %select_n3A_1976, %eq3A_2193 : vector<192x128xi32>
    %select_n3A_2195 = arith.select %eq3A_2194, %get3A_2189, %select_n3A_2183 : vector<192x128xi1>, vector<192x128xf32>
    %get3A_2196 = arith.constant 0 : index
    %get3A_2197 = arith.constant 18 : index
    %get3A_2198 = arith.constant 0 : index
    %get3A_2199 = arith.constant 0 : index
    %get3A_2200 = vector.load %arg4[%get3A_2196, %get3A_2197, %get3A_2198, %get3A_2199] : memref<1x21x192x128xf32, #tpu.memory_space<vmem>>, vector<1x1x192x128xf32>
    %get3A_2201 = vector.shape_cast %get3A_2200 : vector<1x1x192x128xf32> to vector<192x128xf32>
    %exp3A_2202 = math.exp %get3A_2201 : vector<192x128xf32>
    %add3A_2203 = arith.addf %add3A_2191, %exp3A_2202 : vector<192x128xf32>
    %eq3A_2204 = arith.constant 18 : i32
    %eq3A_2205 = vector.broadcast %eq3A_2204 : i32 to vector<192x128xi32>
    %eq3A_2206 = arith.cmpi eq, %select_n3A_1976, %eq3A_2205 : vector<192x128xi32>
    %select_n3A_2207 = arith.select %eq3A_2206, %get3A_2201, %select_n3A_2195 : vector<192x128xi1>, vector<192x128xf32>
    %get3A_2208 = arith.constant 0 : index
    %get3A_2209 = arith.constant 19 : index
    %get3A_2210 = arith.constant 0 : index
    %get3A_2211 = arith.constant 0 : index
    %get3A_2212 = vector.load %arg4[%get3A_2208, %get3A_2209, %get3A_2210, %get3A_2211] : memref<1x21x192x128xf32, #tpu.memory_space<vmem>>, vector<1x1x192x128xf32>
    %get3A_2213 = vector.shape_cast %get3A_2212 : vector<1x1x192x128xf32> to vector<192x128xf32>
    %exp3A_2214 = math.exp %get3A_2213 : vector<192x128xf32>
    %add3A_2215 = arith.addf %add3A_2203, %exp3A_2214 : vector<192x128xf32>
    %eq3A_2216 = arith.constant 19 : i32
    %eq3A_2217 = vector.broadcast %eq3A_2216 : i32 to vector<192x128xi32>
    %eq3A_2218 = arith.cmpi eq, %select_n3A_1976, %eq3A_2217 : vector<192x128xi32>
    %select_n3A_2219 = arith.select %eq3A_2218, %get3A_2213, %select_n3A_2207 : vector<192x128xi1>, vector<192x128xf32>
    %get3A_2220 = arith.constant 0 : index
    %get3A_2221 = arith.constant 20 : index
    %get3A_2222 = arith.constant 0 : index
    %get3A_2223 = arith.constant 0 : index
    %get3A_2224 = vector.load %arg4[%get3A_2220, %get3A_2221, %get3A_2222, %get3A_2223] : memref<1x21x192x128xf32, #tpu.memory_space<vmem>>, vector<1x1x192x128xf32>
    %get3A_2225 = vector.shape_cast %get3A_2224 : vector<1x1x192x128xf32> to vector<192x128xf32>
    %exp3A_2226 = math.exp %get3A_2225 : vector<192x128xf32>
    %add3A_2227 = arith.addf %add3A_2215, %exp3A_2226 : vector<192x128xf32>
    %eq3A_2228 = arith.constant 20 : i32
    %eq3A_2229 = vector.broadcast %eq3A_2228 : i32 to vector<192x128xi32>
    %eq3A_2230 = arith.cmpi eq, %select_n3A_1976, %eq3A_2229 : vector<192x128xi32>
    %select_n3A_2231 = arith.select %eq3A_2230, %get3A_2225, %select_n3A_2219 : vector<192x128xi1>, vector<192x128xf32>
    %log3A_2232 = math.log %add3A_2227 : vector<192x128xf32>
    %sub3A_2233 = arith.subf %log3A_2232, %select_n3A_2231 : vector<192x128xf32>
    %jit3A_2234 = arith.constant 0.000000e+00 : f32
    %broadcast_in_dim3A_2235 = vector.broadcast %jit3A_2234 : f32 to vector<192x128xf32>
    %select_n3A_2236 = arith.select %and3A, %sub3A_2233, %broadcast_in_dim3A_2235 : vector<192x128xi1>, vector<192x128xf32>
    %reduce_sum3A_2237 = vector.shape_cast %select_n3A_2236 : vector<192x128xf32> to vector<1x192x128xf32>
    %reduce_sum3A_2238 = arith.constant dense<0.000000e+00> : vector<1xf32>
    %reduce_sum3A_2239 = vector.multi_reduction <add>, %reduce_sum3A_2237, %reduce_sum3A_2238 [1, 2] : vector<1x192x128xf32> to vector<1xf32>
    %reduce_sum3A_2240 = vector.shape_cast %reduce_sum3A_2239 : vector<1xf32> to vector<1x1x1xf32>
    %reduce_sum3A_2241 = vector.extract %reduce_sum3A_2240[0, 0, 0] : f32 from vector<1x1x1xf32>
    %not3A_2242 = arith.constant dense<true> : vector<192x128xi1>
    %not3A_2243 = arith.xori %lt3A_4, %not3A_2242 : vector<192x128xi1>
    %or3A_2244 = arith.ori %and3A, %not3A_2243 : vector<192x128xi1>
    %jit3A_2245 = arith.constant 0.000000e+00 : f32
    %broadcast_in_dim3A_2246 = vector.broadcast %jit3A_2245 : f32 to vector<192x128xf32>
    %select_n3A_2247 = arith.select %or3A_2244, %broadcast_in_dim3A_2246, %sub3A_2233 : vector<192x128xi1>, vector<192x128xf32>
    %mul3A_2248 = arith.constant 3 : i32
    %mul3A_2249 = arith.muli %mul3A_2248, %reduce_sum3A_1855 : i32
    %min3A_2250 = arith.constant 24563 : i32
    %min3A_2251 = arith.minsi %mul3A_2249, %min3A_2250 : i32
    %bitcast_convert_type3A = tpu.bitcast %select_n3A_2247 : vector<192x128xf32> -> vector<192x128xi32>
    %reduce_max3A_2252 = vector.shape_cast %bitcast_convert_type3A : vector<192x128xi32> to vector<1x192x128xi32>
    %reduce_max3A_2253 = arith.constant dense<-2147483648> : vector<1xi32>
    %reduce_max3A_2254 = vector.multi_reduction <maxsi>, %reduce_max3A_2252, %reduce_max3A_2253 [1, 2] : vector<1x192x128xi32> to vector<1xi32>
    %reduce_max3A_2255 = vector.shape_cast %reduce_max3A_2254 : vector<1xi32> to vector<1x1x1xi32>
    %reduce_max3A_2256 = vector.extract %reduce_max3A_2255[0, 0, 0] : i32 from vector<1x1x1xi32>
    %scan3A = arith.constant -1 : i32
    %scan3A_2257 = arith.constant 0 : i32
    %scan3A_2258 = arith.constant 33 : i32
    %scan3A_2259 = arith.addi %scan3A_2257, %scan3A_2258 : i32
    %scan3A_2260 = arith.constant 1 : i32
    %scan3A_2261:2 = scf.for %scan3A_2312 = %scan3A_2257 to %scan3A_2259 step %scan3A_2260 iter_args(%scan3A_2313 = %scan3A, %scan3A_2314 = %reduce_max3A_2256) -> (i32, i32)  : i32 {
      %sub3A_2315 = arith.subi %scan3A_2314, %scan3A_2313 : i32
      %add3A_2316 = arith.constant 1 : i32
      %add3A_2317 = arith.addi %sub3A_2315, %add3A_2316 : i32
      %shift_right_arithmetic3A = arith.constant 1 : i32
      %shift_right_arithmetic3A_2318 = arith.shrsi %add3A_2317, %shift_right_arithmetic3A : i32
      %add3A_2319 = arith.addi %scan3A_2313, %shift_right_arithmetic3A_2318 : i32
      %gt3A_2320 = vector.broadcast %add3A_2319 : i32 to vector<192x128xi32>
      %gt3A_2321 = arith.cmpi sgt, %bitcast_convert_type3A, %gt3A_2320 : vector<192x128xi32>
      %convert_element_type3A_2322 = arith.extui %gt3A_2321 : vector<192x128xi1> to vector<192x128xi32>
      %reduce_sum3A_2323 = vector.shape_cast %convert_element_type3A_2322 : vector<192x128xi32> to vector<1x192x128xi32>
      %reduce_sum3A_2324 = arith.constant dense<0> : vector<1xi32>
      %reduce_sum3A_2325 = vector.multi_reduction <add>, %reduce_sum3A_2323, %reduce_sum3A_2324 [1, 2] : vector<1x192x128xi32> to vector<1xi32>
      %reduce_sum3A_2326 = vector.shape_cast %reduce_sum3A_2325 : vector<1xi32> to vector<1x1x1xi32>
      %reduce_sum3A_2327 = vector.extract %reduce_sum3A_2326[0, 0, 0] : i32 from vector<1x1x1xi32>
      %ge3A = arith.cmpi sge, %reduce_sum3A_2327, %min3A_2251 : i32
      %select_n3A_2328 = arith.select %ge3A, %add3A_2319, %scan3A_2313 : i32
      %sub3A_2329 = arith.constant 1 : i32
      %sub3A_2330 = arith.subi %add3A_2319, %sub3A_2329 : i32
      %select_n3A_2331 = arith.select %ge3A, %scan3A_2314, %sub3A_2330 : i32
      scf.yield %select_n3A_2328, %select_n3A_2331 : i32, i32
    }
    %add3A_2262 = arith.constant 1 : i32
    %add3A_2263 = arith.addi %scan3A_2261#0, %add3A_2262 : i32
    %bitcast_convert_type3A_2264 = arith.bitcast %add3A_2263 : i32 to f32
    %gt3A_2265 = vector.broadcast %bitcast_convert_type3A_2264 : f32 to vector<192x128xf32>
    %gt3A_2266 = arith.cmpf ogt, %select_n3A_2247, %gt3A_2265 : vector<192x128xf32>
    %convert_element_type3A_2267 = arith.extui %gt3A_2266 : vector<192x128xi1> to vector<192x128xi32>
    %reduce_sum3A_2268 = vector.shape_cast %convert_element_type3A_2267 : vector<192x128xi32> to vector<1x192x128xi32>
    %reduce_sum3A_2269 = arith.constant dense<0> : vector<1xi32>
    %reduce_sum3A_2270 = vector.multi_reduction <add>, %reduce_sum3A_2268, %reduce_sum3A_2269 [1, 2] : vector<1x192x128xi32> to vector<1xi32>
    %reduce_sum3A_2271 = vector.shape_cast %reduce_sum3A_2270 : vector<1xi32> to vector<1x1x1xi32>
    %reduce_sum3A_2272 = vector.extract %reduce_sum3A_2271[0, 0, 0] : i32 from vector<1x1x1xi32>
    %jit3A_2273 = arith.constant 0.000000e+00 : f32
    %broadcast_in_dim3A_2274 = vector.broadcast %jit3A_2273 : f32 to vector<192x128xf32>
    %select_n3A_2275 = arith.select %gt3A_2266, %select_n3A_2247, %broadcast_in_dim3A_2274 : vector<192x128xi1>, vector<192x128xf32>
    %reduce_sum3A_2276 = vector.shape_cast %select_n3A_2275 : vector<192x128xf32> to vector<1x192x128xf32>
    %reduce_sum3A_2277 = arith.constant dense<0.000000e+00> : vector<1xf32>
    %reduce_sum3A_2278 = vector.multi_reduction <add>, %reduce_sum3A_2276, %reduce_sum3A_2277 [1, 2] : vector<1x192x128xf32> to vector<1xf32>
    %reduce_sum3A_2279 = vector.shape_cast %reduce_sum3A_2278 : vector<1xf32> to vector<1x1x1xf32>
    %reduce_sum3A_2280 = vector.extract %reduce_sum3A_2279[0, 0, 0] : f32 from vector<1x1x1xf32>
    %sub3A_2281 = arith.subi %min3A_2251, %reduce_sum3A_2272 : i32
    %convert_element_type3A_2282 = arith.sitofp %sub3A_2281 : i32 to f32
    %mul3A_2283 = arith.mulf %convert_element_type3A_2282, %bitcast_convert_type3A_2264 : f32
    %add3A_2284 = arith.addf %reduce_sum3A_2280, %mul3A_2283 : f32
    %gt3A_2285 = arith.constant 0 : i32
    %gt3A_2286 = arith.cmpi sgt, %min3A_2251, %gt3A_2285 : i32
    %jit3A_2287 = arith.constant 0.000000e+00 : f32
    %select_n3A_2288 = arith.select %gt3A_2286, %add3A_2284, %jit3A_2287 : f32
    %add3A_2289 = arith.addf %reduce_sum3A_2241, %select_n3A_2288 : f32
    %iota3A_2290 = tpu.iota {dimensions = array<i32: 2>} : vector<1x1x128xi32>
    %eq3A_2291 = arith.constant 0 : i32
    %eq3A_2292 = vector.broadcast %eq3A_2291 : i32 to vector<1x1x128xi32>
    %eq3A_2293 = arith.cmpi eq, %iota3A_2290, %eq3A_2292 : vector<1x1x128xi32>
    %eq3A_2294 = arith.constant 1 : i32
    %eq3A_2295 = vector.broadcast %eq3A_2294 : i32 to vector<1x1x128xi32>
    %eq3A_2296 = arith.cmpi eq, %iota3A_2290, %eq3A_2295 : vector<1x1x128xi32>
    %eq3A_2297 = arith.constant 2 : i32
    %eq3A_2298 = vector.broadcast %eq3A_2297 : i32 to vector<1x1x128xi32>
    %eq3A_2299 = arith.cmpi eq, %iota3A_2290, %eq3A_2298 : vector<1x1x128xi32>
    %convert_element_type3A_2300 = arith.sitofp %reduce_sum3A_1855 : i32 to f32
    %jit3A_2301 = arith.constant 0.000000e+00 : f32
    %broadcast_in_dim3A_2302 = vector.broadcast %convert_element_type3A_2300 : f32 to vector<1x1x128xf32>
    %broadcast_in_dim3A_2303 = vector.broadcast %jit3A_2301 : f32 to vector<1x1x128xf32>
    %select_n3A_2304 = arith.select %eq3A_2299, %broadcast_in_dim3A_2302, %broadcast_in_dim3A_2303 : vector<1x1x128xi1>, vector<1x1x128xf32>
    %broadcast_in_dim3A_2305 = vector.broadcast %add3A_2289 : f32 to vector<1x1x128xf32>
    %select_n3A_2306 = arith.select %eq3A_2296, %broadcast_in_dim3A_2305, %select_n3A_2304 : vector<1x1x128xi1>, vector<1x1x128xf32>
    %broadcast_in_dim3A_2307 = vector.broadcast %reduce_sum3A_1970 : f32 to vector<1x1x128xf32>
    %select_n3A_2308 = arith.select %eq3A_2293, %broadcast_in_dim3A_2307, %select_n3A_2306 : vector<1x1x128xi1>, vector<1x1x128xf32>
    %swap3A = arith.constant 0 : index
    %swap3A_2309 = arith.constant 0 : index
    %swap3A_2310 = arith.constant 0 : index
    %swap3A_2311 = vector.load %arg5[%swap3A, %swap3A_2309, %swap3A_2310] : memref<1x1x128xf32, #tpu.memory_space<vmem>>, vector<1x1x128xf32>
    tpu.vector_store %arg5[%swap3A, %swap3A_2309, %swap3A_2310], %select_n3A_2308 {strides = array<i32>} : memref<1x1x128xf32, #tpu.memory_space<vmem>>, vector<1x1x128xf32>,
    return
  }
  func.func @transform_0(%arg0: i32) -> (i32, i32, i32) {
    %c0_i32 = arith.constant 0 : i32
    %c0_i32_0 = arith.constant 0 : i32
    %c0_i32_1 = arith.constant 0 : i32
    return %arg0, %c0_i32, %c0_i32_0 : i32, i32, i32
  }
  func.func @transform_1(%arg0: i32) -> (i32, i32, i32) {
    %c0_i32 = arith.constant 0 : i32
    %c0_i32_0 = arith.constant 0 : i32
    %c0_i32_1 = arith.constant 0 : i32
    %c0_i32_2 = arith.constant 0 : i32
    return %c0_i32, %c0_i32_0, %c0_i32_1 : i32, i32, i32
  }
  func.func @transform_2(%arg0: i32) -> (i32, i32, i32, i32) {
    %c0_i32 = arith.constant 0 : i32
    %c0_i32_0 = arith.constant 0 : i32
    %c0_i32_1 = arith.constant 0 : i32
    %c0_i32_2 = arith.constant 0 : i32
    return %arg0, %c0_i32, %c0_i32_0, %c0_i32_1 : i32, i32, i32, i32
  }
  func.func @transform_3(%arg0: i32) -> (i32, i32, i32, i32) {
    %c0_i32 = arith.constant 0 : i32
    %c0_i32_0 = arith.constant 0 : i32
    %c0_i32_1 = arith.constant 0 : i32
    %c0_i32_2 = arith.constant 0 : i32
    return %arg0, %c0_i32, %c0_i32_0, %c0_i32_1 : i32, i32, i32, i32
  }
  func.func @transform_4(%arg0: i32) -> (i32, i32, i32) {
    %c0_i32 = arith.constant 0 : i32
    %c0_i32_0 = arith.constant 0 : i32
    %c0_i32_1 = arith.constant 0 : i32
    return %arg0, %c0_i32, %c0_i32_0 : i32, i32, i32
  }
}

</mosaic_0001>

<sc_bundles>
// kernel: sparse-core-data-format-call.cloned.1.call-start
scs
called_computation_lowered:
.L_overlay_start_0:
0x0: {  	s1 =	sld [smem:$0x3FD9]  }
0x1: {  	s2 =	sld [smem:$0x3FFE];
	_ =	sdelay $0x1  }
0x2: {  	s3 =	srdreg.scid  }
0x3: {  	s0 =	sand.u32 $0x1, s3  }
0x4: {  	s17 =	sshll.u32 s0, $0xA;
	s1 =	sadd.s32 s2, s1  }
0x5: {  	s1 =	sadd.s32 s1, s17  }
0x6: {  	[smem:$0x3FC4] =	sst s1  }
0x7: {  	_ = 	snop  }
0x8: {  	(tm) =	ssettm $0x1  }
0x9: {  	s18 =	sld [smem:$0x3FFB];
	_ =	sdelay $0x3  }
0xa: {  	_ =	strace s18  }
0xb: {  	s1 =	sld [smem:$0x3FFC];
	_ =	sdelay $0x3  }
0xc: {  	_ =	strace s1  }
0xd: {  	s1 =	sld [smem:$0x3FFD];
	_ =	sdelay $0x3  }
0xe: {  	_ =	strace s1  }
0xf: {  	_ =	strace $0x8FFFFFFF  }
0x10: {  	s19 =	sld [smem:$0x3FDB];
	_ =	sdelay $0x1  }
0x11: {  	s20 =	simm.s32 $_scs_section_size  }
0x12: {  	s4 =	simm.s32 $_size__tile_overlayer_lowered;
	s5 =	simm.s32 $_tile_overlayer_lowered  }
0x13: {  	s23 =	simm.s32 $0x1BFF;
	s22 =	sshll.u32 s5, $0x1;
	s1 =	sadd.s32 s20, s19  }
0x14: {  	s6 =	simm.s32 $0x0;
	s21 =	sshll.u32 s4, $0x1;
	s4 =	sadd.s32 s22, s1  }
0x15: {  	[timem:s6], [sflag:s23] =	dma.local [hbm:s4], s21  }
0x16: {  	_ =	swait.ge [sflag:s23], s21  }
0x17: {  	s2 =	ssub.s32 $0x0, s21;
	[sflag:s23] =	ssyncset.done $0x0  }
0x18: {  	[sflag:s23] =	ssyncadd.s32 s2;
	_ =	sdelay $0x1  }
0x19: {  	s24 =	simm.s32 $0x1B8B  }
0x1a: {  	_ =	swait.ge [sflag:s24], $0x1  }
0x1b: {  	[sflag:s24] =	ssyncset.done $0x0  }
0x1c: {  	s26 =	simm.s32 $0x1B8E;
	s25 =	sld [smem:$0x3FFE];
	[sflag:s24] =	ssyncadd.s32 $0xFFFFFFFF  }
0x1d: {  	s27 =	simm.s32 $execute0_lowered;
	[smem:$0x3FD2] =	sst s26  }
0x1e: {  	s4 =	sshll.u32 s27, $0x1;
	_ =	strace $0x80000046;
	[dreg:$0x1] =	wrdreg $0xFFFFFFFF  }
0x1f: {  	s28 =	simm.s32 $_size_execute0_lowered;
	s1 =	sadd.s32 s1, s4;
	[dreg:$0x0] =	wrdreg $0x0  }
0x20: {  	s4 =	sshll.u32 s28, $0x1;
	[dreg:$0x2] =	wrdreg s1  }
0x21: {  	[dreg:$0x3] =	wrdreg s4  }
0x22: {  	[dreg:$0x4] =	wrdreg $0xC0  }
0x23: {  	_ =	task [dreg:s6], $0x5FFFF  }
0x24: {  	[dreg:$0x1] =	wrdreg $0xFFFFFFFF  }
0x25: {  	[dreg:$0x0] =	wrdreg $0x60  }
0x26: {  	[dreg:$0x2] =	wrdreg s25  }
0x27: {  	[dreg:$0x3] =	wrdreg $0x9  }
0x28: {  	_ =	task.clear_ibuf [dreg:s6], $0x4FFFF;
	_ =	strace $0x90000046  }
0x29: {  	s29 =	simm.s32 $0x9;
	_ =	strace $0x80000048  }
0x2a: {  	_ =	swait.ge [sflag:s29], $0x1  }
0x2b: {  	[sflag:s29] =	ssyncadd.s32 $0xFFFFFFFF  }
0x2c: {  	_ =	strace $0x90000048  }
0x2d: {  	_ =	sfence  }
0x2e: {  	s30 =	sld [smem:$0x0];
	_ =	sdelay $0x2  }
0x2f: {  	s31 =	sshll.u32 s3, $0xD;
	s3 =	sshrl.u32 s3, $0x2  }
0x30: {  	s2 =	sand.u32 $0x4000, s31;
	s1 =	sadd.s32 s3, s30  }
0x31: {  	s0 =	sor.u32 s2, s0;
	s1 =	sshll.u32 s1, $0x11  }
0x32: {  	s0 =	sor.u32 s1, s0  }
0x33: {  	s0 =	sadd.s32 $0x8F2B, s0  }
0x34: {  	[sflag:s0] =	ssyncadd.remote.s32 $0x1  }
0x35: {  	_ =	sfence.sel $0xFFFF  }
0x36: {  	[dreg:$0x0] =	wrdreg $0xFFFFFFFF;
	(pc) =	sbr.abs _section_cstart, $3  }
0x37: {  	[dreg:$0x1] =	wrdreg $0xFFFFFFFF  }
0x38: {  	_ =	task.clear_ibuf [dreg:s6], $0x2FFFF;
	_ =	strace $0x9FFFFFFF  }
0x39: {  	(tm) =	ssettm $0x7FFFFFFF  }
tec
execute0_lowered:
.L_overlay_start_1:
0x0: {  	(tag) =	ssettag $0x1  }
0x1: {  	s0 =	srdreg.scid;
	s3 =	rddreg [dreg:$0x0]  }
0x2: {  	s7 =	simm.s32 $0x2;
	s14 =	simm.s32 $0x0;
	s1 =	sshll.u32 s0, $0x4  }
0x3: {  	s8 =	simm.s32 $0x800;
	s0 =	stileid.u32;
	s1 =	sand.u32 $0x10, s1  }
0x4: {  	s9 =	simm.s32 $0x6000;
	s10 =	simm.s32 $0x0;
	s2 =	sor.u32 s0, s1  }
.Ltmp0:
0x5: {  	s15 =	simm.s32 $0x0;
	s4 =	ssub.s32 $0x73, s2;
	(pc) =	sbr.rel .LBB1_1-.Ltmp0, $4  }
0x6: {  	s11 =	simm.s32 $0x0;
	s1 =	rddreg [dreg:$0x1];
	s5 =	sshrl.u32 s4, $0x5  }
0x7: {  	_ =	strace $0x80000047;
	s4 =	simm.s32 $0x1;
	s5 =	smul.u32 $0xC, s5  }
0x8: {  	s13 =	simm.s32 $0x0;
	s6 =	sadd.s32 $0x1F8000, s3;
	[sflag:s4] =	ssyncpa.u1 $0x0  }
0x9: {  	s12 =	smov.u32 s2;
	[sflag:s7] =	ssyncpa.u1 $0x0;
	s7 =	sor.u32 $0x1, s5  }
.LBB1_7:
0xa: {  	s16 =	sadd.s32 $0x10, s11  }
0xb: {  	s14 =	sadd.s32 $0x20, s12;
	s18 =	smov.u32 s12;
	p1 =	sgt.s32 s16, $0xBF  }
0xc: {  	s18 =	smov.u32 @p1 s14  }
0xd: {  	s16 =	simm.s32 @p1 $0x0;
	p1 =	sgt.s32 s18, $0x53  }
0xe: {  	s18 =	smov.u32 @p1 s2;
	p1 =	sne.s32 s13, s7  }
.Ltmp1:
0xf: {  	p0 =	slt.u32 s13, $0x2;
	(pc) =	sbr.rel @!p1 .LBB1_8-.Ltmp1, $4  }
0x10: {  	s17 =	simm.s32 @!p0 $0x2  }
0x11: {  	s15 =	smov.u32 s12;
	s10 =	sadd.s32 $0x4000, s10;
	_ =	swait.ge @!p0 [sflag:s17], $0x4000  }
0x12: {  	s14 =	smov.u32 s11;
	[sflag:s17] =	ssyncset.done @!p0 $0x0;
	s11 =	smov.u32 s16  }
0x13: {  	s13 =	sadd.s32 $0x1, s13;
	[sflag:s17] =	ssyncadd.s32 @!p0 $0xFFFFC000;
	s12 =	smov.u32 s18  }
.LBB1_1:
0x14: {  	p0 =	sge.u32 s13, s5  }
0x15: {  	s16 =	smul.u32 @!p0 $0x6000, s12  }
0x16: {  	s31 =	sadd.s32 $0xFFFFFFFF, s13;
	s17 =	sxor.u32 @!p0 $0xFFFFFFFF, s13  }
0x17: {  	s18 =	sshll.u32 @!p0 s11, $0x7;
	s17 =	sshll.u32 @!p0 s17, $0xE;
	s16 =	sadd.s32 @!p0 s3, s16  }
0x18: {  	s17 =	sand.u32 @!p0 $0x4000, s17;
	s16 =	sadd.s32 @!p0 s18, s16;
	s18 =	simm.s32 @!p0 $0x0  }
0x19: {  	[tilespmem:s17], [sflag:$0x1] =	stream.linear.gather @!p0 [hbm4b:s16+s18], $0x4000, $0x38;
	[tilespmem:$0x10000] =	vst v63  }
0x1a: {  	p0 =	sge.u32 s31, s5  }
.Ltmp2:
0x1b: {  	_ = 	snop;
	(pc) =	sbr.rel @p0 .LBB1_7-.Ltmp2, $1  }
0x1c: {  	_ =	sdelay $0x3  }
0x1d: {  	s16 =	sand.u32 $0x4000, s10  }
0x1e: {  	_ =	swait.ge [sflag:s4], $0x4000;
	s19 =	sshll.u32 s13, $0xE;
	s17 =	sor.u32 $0x8040, s16  }
0x1f: {  	s18 =	sor.u32 $0x40, s16;
	[sflag:s4] =	ssyncset.done $0x0;
	s31 =	sand.u32 $0x4000, s19  }
0x20: {  	s19 =	simm.s32 $0x0;
	[sflag:s4] =	ssyncadd.s32 $0xFFFFC000;
	s16 =	sor.u32 $0x8000, s31  }
.LBB1_3:
0x21: {  	v0 =	vmov s18;
	_ =	sdelay $0x3  }
0x22: {  	s21 =	simm.s32 $0x0  }
0x23: {  	v6 =	vld.idx.msk [tilespmem:v0+s21+$0x30 ss:$0x1], $0xffff  }
0x24: {  	v7 =	vld.idx.msk [tilespmem:v0+s21+$0xFFFFFFC0 ss:$0x1], $0xffff  }
0x25: {  	v5 =	vld.idx.msk [tilespmem:v0+s21+$0xFFFFFFD0 ss:$0x1], $0xffff  }
0x26: {  	v4 =	vld.idx.msk [tilespmem:v0+s21+$0xFFFFFFE0 ss:$0x1], $0xffff  }
0x27: {  	v3 =	vld.idx.msk [tilespmem:v0+s21+$0xFFFFFFF0 ss:$0x1], $0xffff  }
0x28: {  	v1 =	vld.idx.msk [tilespmem:v0+s21+$0x0 ss:$0x1], $0xffff  }
0x29: {  	v2 =	vld.idx.msk [tilespmem:v0+s21+$0x10 ss:$0x1], $0xffff;
	[tilespmem:s17+$0x30] =	vst v6  }
0x2a: {  	s20 =	simm.s32 $0x80;
	s22 =	simm.s32 $0x400;
	[tilespmem:s17+$0xFFFFFFC0] =	vst v7;
	v6 =	vld.idx.msk [tilespmem:v0+s21+$0x20 ss:$0x1], $0xffff;
	s21 =	smov.u32 s17  }
.LBB1_4:
0x2b: {  	p0 =	sne.s32 s22, $0xE00;
	v7 =	vld.idx.msk [tilespmem:v0+s20+$0x30 ss:$0x1], $0xffff;
	[tilespmem:s21+$0xFFFFFFD0] =	vst v5  }
0x2c: {  	v8 =	vld.idx.msk [tilespmem:v0+s20+$0xFFFFFFC0 ss:$0x1], $0xffff;
	[tilespmem:s21+$0xFFFFFFE0] =	vst v4  }
0x2d: {  	v5 =	vld.idx.msk [tilespmem:v0+s20+$0xFFFFFFD0 ss:$0x1], $0xffff;
	[tilespmem:s21+$0xFFFFFFF0] =	vst v3  }
.Ltmp3:
0x2e: {  	v4 =	vld.idx.msk [tilespmem:v0+s20+$0xFFFFFFE0 ss:$0x1], $0xffff;
	[tilespmem:s21+$0x0] =	vst v1;
	(pc) =	sbr.rel @p0 .LBB1_4-.Ltmp3, $4  }
0x2f: {  	v3 =	vld.idx.msk [tilespmem:v0+s20+$0xFFFFFFF0 ss:$0x1], $0xffff;
	[tilespmem:s21+$0x10] =	vst v2  }
0x30: {  	v1 =	vld.idx.msk [tilespmem:v0+s20+$0x0 ss:$0x1], $0xffff;
	[tilespmem:s21+$0x20] =	vst v6;
	s21 =	sadd.s32 $0x800, s21  }
0x31: {  	v2 =	vld.idx.msk [tilespmem:v0+s20+$0x10 ss:$0x1], $0xffff;
	[tilespmem:s21+$0x30] =	vst v7  }
0x32: {  	[tilespmem:s21+$0xFFFFFFC0] =	vst v8;
	v6 =	vld.idx.msk [tilespmem:v0+s20+$0x20 ss:$0x1], $0xffff;
	s20 =	sshra.s32 s22, $0x2;
	s22 =	sadd.s32 $0x200, s22  }
0x33: {  	_ =	sdelay $0x2  }
0x34: {  	[tilespmem:s21+$0xFFFFFFD0] =	vst v5  }
0x35: {  	v56 =	vld.idx.msk [tilespmem:v0+s20+$0x30 ss:$0x1], $0xffff;
	[tilespmem:s21+$0xFFFFFFE0] =	vst v4  }
0x36: {  	v57 =	vld.idx.msk [tilespmem:v0+s20+$0xFFFFFFC0 ss:$0x1], $0xffff;
	[tilespmem:s21+$0xFFFFFFF0] =	vst v3  }
0x37: {  	v58 =	vld.idx.msk [tilespmem:v0+s20+$0xFFFFFFD0 ss:$0x1], $0xffff;
	[tilespmem:s21+$0x0] =	vst v1  }
0x38: {  	v59 =	vld.idx.msk [tilespmem:v0+s20+$0xFFFFFFE0 ss:$0x1], $0xffff;
	[tilespmem:s21+$0x10] =	vst v2  }
0x39: {  	v60 =	vld.idx.msk [tilespmem:v0+s20+$0xFFFFFFF0 ss:$0x1], $0xffff;
	s31 =	sadd.s32 $0x800, s21;
	[tilespmem:s21+$0x20] =	vst v6  }
0x3a: {  	v61 =	vld.idx.msk [tilespmem:v0+s20+$0x0 ss:$0x1], $0xffff;
	[tilespmem:s31+$0x30] =	vst v56  }
0x3b: {  	v62 =	vld.idx.msk [tilespmem:v0+s20+$0x10 ss:$0x1], $0xffff;
	s19 =	sadd.s32 $0x1, s19;
	[tilespmem:s31+$0xFFFFFFC0] =	vst v57  }
0x3c: {  	v63 =	vld.idx.msk [tilespmem:v0+s20+$0x20 ss:$0x1], $0xffff;
	p0 =	sne.s32 s19, $0x10;
	[tilespmem:s31+$0xFFFFFFD0] =	vst v58  }
.Ltmp4:
0x3d: {  	[tilespmem:s31+$0xFFFFFFE0] =	vst v59;
	(pc) =	sbr.rel @p0 .LBB1_3-.Ltmp4, $4  }
0x3e: {  	[tilespmem:s31+$0xFFFFFFF0] =	vst v60  }
0x3f: {  	[tilespmem:s31+$0x0] =	vst v61  }
0x40: {  	[tilespmem:s31+$0x10] =	vst v62  }
0x41: {  	s17 =	sadd.s32 $0x80, s17;
	s18 =	sadd.s32 $0x400, s18;
	[tilespmem:s31+$0x20] =	vst v63  }
0x42: {  	s14 =	sand.u32 $0x1FFFFFF, s14  }
0x43: {  	s17 =	smulhi.u32 $0x1555556, s14  }
0x44: {  	s15 =	smul.u32 $0x6000, s15  }
0x45: {  	s17 =	smul.u32 $0xC0, s17  }
.Ltmp5:
0x46: {  	_ = 	snop;
	(pc) =	sbr.rel .LBB1_7-.Ltmp5, $4  }
0x47: {  	s14 =	ssub.s32 s14, s17  }
0x48: {  	s15 =	sadd.s32 s6, s15;
	s14 =	sshll.u32 s14, $0x4  }
0x49: {  	s14 =	sadd.s32 s14, s15  }
0x4a: {  	[hbm4b:s14+s8] =	stream.strided.scatter [tilespmem:s16], [sflag:$0x2], $0x4000, s9, s8, $0x38;
	[tilespmem:$0x10000] =	vst v63  }
.LBB1_8:
0x4b: {  	_ =	sfence.sel $0x180000  }
0x4c: {  	s2 =	simm.s32 $0x1;
	[bflag:$0x0] =	sbarrier.arrive $0xFFFF  }
0x4d: {  	s31 =	simm.s32 $0x2;
	[sflag:s2] =	ssyncpa.u1 $0x1  }
0x4e: {  	[sflag:s31] =	ssyncpa.u1 $0x1  }
0x4f: {  	p0 =	sne.s32 s0, $0x0;
	_ =	strace $0x90000047  }
0x50: {  	s0 =	sadd.s32 @!p0 $0x100000, s1;
	[bflag:$0x2] =	sbarrier.arrive $0xFFFF  }
0x51: {  	[sflag:s0] =	ssyncadd.tile.s32 @!p0 $0x1;
	_ =	shalt  }
.Lfunc_end1:
_tile_overlayer_lowered:
.L_overlay_start_2:
0x52: {  	(tag) =	ssettag $0x2  }
0x53: {  	s0 =	rddreg [dreg:$0x0];
	s2 =	stileid.u32  }
0x54: {  	s1 =	rddreg [dreg:$0x1];
	p0 =	sne.s32 s2, $0x0  }
0x55: {  	s3 =	rddreg [dreg:$0x2];
	[bflag:$0x3] =	sbarrier.arrive $0xFFFF;
	s2 =	simm.s32 @!p0 $0x1C01  }
0x56: {  	[timem:s3], [sflag:s2] =	dma.local @!p0 [hbm:s0], s1  }
0x57: {  	s0 =	simm.s32 @!p0 $0x1  }
0x58: {  	_ =	swait.ge @!p0 [sflag:s0], s1  }
0x59: {  	s1 =	ssub.s32 @!p0 $0x0, s1;
	[sflag:s0] =	ssyncset.done @!p0 $0x0  }
0x5a: {  	[sflag:s0] =	ssyncadd.s32 @!p0 s1  }
0x5b: {  	[bflag:$0x3] =	sbarrier.arrive $0xFFFF  }
0x5c: {  	_ =	shalt  }

</sc_bundles>
